<compile_context>
chip_gen: v7x
topology: tpu7x:2x2x1
jax: 0.10.2.dev20260603
libtpu: 0.0.44.dev20260713+nightly
codegen_flags: <defaults>
</compile_context>

<pallas_src>
import functools

import jax
import jax.numpy as jnp
from jax import lax
from jax.experimental import pallas as pl
from jax.experimental.pallas import tpu as pltpu
from jax.experimental.pallas import tpu_sc as plsc

F = 128
L = 16
NC = 2
NS = 16
NW = NC * NS
CHUNK = 128
TC_BLK = 2000




def _sc_aggregate_build(n_nodes: int, e_pad: int, n_acc: int):
    chunks_per_w = e_pad // (NW * CHUNK)
    stripe = n_acc // NS
    assert stripe % CHUNK == 0
    zcopies = stripe // CHUNK

    mesh = plsc.VectorSubcoreMesh(core_axis_name="c", subcore_axis_name="s",
                                  num_cores=NC, num_subcores=NS)

    @functools.partial(
        pl.kernel,
        out_type=jax.ShapeDtypeStruct((NC, n_acc, F), jnp.float32),
        mesh=mesh,
        scratch_types=[
            pltpu.VMEM((CHUNK,), jnp.int32),
            pltpu.VMEM((CHUNK,), jnp.int32),
            pltpu.VMEM((CHUNK, F), jnp.float32),
            pltpu.VMEM_SHARED((n_acc, F), jnp.float32),
            pltpu.SemaphoreType.DMA,
        ],
    )
    def sc_kernel(z_hbm, src_hbm, dst_hbm, out_hbm,
                  src_v, dst_v, rows_v, acc, sem):
        cid = lax.axis_index("c")
        sid = lax.axis_index("s")
        wid = cid * NS + sid

        zval = jnp.zeros((L,), jnp.float32)

        def zrow(i, _):
            for j in range(F // L):
                rows_v[i, pl.ds(j * L, L)] = zval
            return 0

        lax.fori_loop(0, CHUNK, zrow, 0)
        for j in range(zcopies):
            pltpu.sync_copy(rows_v,
                            acc.at[pl.ds(sid * stripe + j * CHUNK, CHUNK)])
        plsc.subcore_barrier()

        base = wid * chunks_per_w * CHUNK

        def body(i, _):
            off = base + i * CHUNK
            pltpu.sync_copy(src_hbm.at[pl.ds(off, CHUNK)], src_v)
            pltpu.sync_copy(dst_hbm.at[pl.ds(off, CHUNK)], dst_v)
            pltpu.async_copy(z_hbm.at[src_v], rows_v, sem).wait()
            pltpu.sync_copy(rows_v, acc.at[dst_v], add=True)
            return 0

        lax.fori_loop(0, chunks_per_w, body, 0)
        plsc.subcore_barrier()

        pltpu.sync_copy(acc.at[pl.ds(sid * stripe, stripe)],
                        out_hbm.at[cid, pl.ds(sid * stripe, stripe)])

    return sc_kernel




def _mmT(a, w):
    return lax.dot_general(a, w, (((1,), (1,)), ((), ())),
                           preferred_element_type=jnp.float32)


def _tc_pre_body(x_ref, wr_ref, wo_ref, wl_ref, br_ref, bl_ref, z_ref, s_ref):
    xb = x_ref[...]
    z_ref[...] = _mmT(xb, wr_ref[...])
    s_ref[...] = _mmT(xb, wo_ref[...] + wl_ref[...]) + br_ref[...] + bl_ref[...]


def _tc_mid_body(p_ref, sp_ref, wr_ref, wo_ref, wl_ref, br_ref, bl_ref,
                 z_ref, s_ref):
    xb = jnp.maximum(p_ref[0] + p_ref[1] + sp_ref[...], 0.0)
    z_ref[...] = _mmT(xb, wr_ref[...])
    s_ref[...] = _mmT(xb, wo_ref[...] + wl_ref[...]) + br_ref[...] + bl_ref[...]


def _tc_final_body(p_ref, sp_ref, o_ref):
    o_ref[...] = p_ref[0] + p_ref[1] + sp_ref[...]


def _row_blk(n):
    return pl.BlockSpec((TC_BLK, F), lambda i: (i, 0))


_W_SPEC = pl.BlockSpec((F, F), lambda i: (0, 0))
_B_SPEC = pl.BlockSpec((1, F), lambda i: (0, 0))


def _tc_pre(x, wr, wo, wl, br, bl, n):
    return pl.pallas_call(
        _tc_pre_body,
        grid=(n // TC_BLK,),
        in_specs=[_row_blk(n), _W_SPEC, _W_SPEC, _W_SPEC, _B_SPEC, _B_SPEC],
        out_specs=[_row_blk(n), _row_blk(n)],
        out_shape=[jax.ShapeDtypeStruct((n, F), jnp.float32)] * 2,
    )(x, wr, wo, wl, br, bl)


def _tc_mid(p, s_prev, wr, wo, wl, br, bl, n):
    p_spec = pl.BlockSpec((NC, TC_BLK, F), lambda i: (0, i, 0))
    return pl.pallas_call(
        _tc_mid_body,
        grid=(n // TC_BLK,),
        in_specs=[p_spec, _row_blk(n), _W_SPEC, _W_SPEC, _W_SPEC, _B_SPEC,
                  _B_SPEC],
        out_specs=[_row_blk(n), _row_blk(n)],
        out_shape=[jax.ShapeDtypeStruct((n, F), jnp.float32)] * 2,
    )(p, s_prev, wr, wo, wl, br, bl)


def _tc_final(p, s_prev, n):
    p_spec = pl.BlockSpec((NC, TC_BLK, F), lambda i: (0, i, 0))
    return pl.pallas_call(
        _tc_final_body,
        grid=(n // TC_BLK,),
        in_specs=[p_spec, _row_blk(n)],
        out_specs=_row_blk(n),
        out_shape=jax.ShapeDtypeStruct((n, F), jnp.float32),
    )(p, s_prev)




def kernel(x, edge_index,
           W_rel1, b_rel1, W_root1, W_lin1, b_lin1,
           W_rel2, b_rel2, W_root2, W_lin2, b_lin2,
           W_rel3, b_rel3, W_root3, W_lin3, b_lin3):
    n, f = x.shape
    e = edge_index.shape[1]
    assert f == F and n % TC_BLK == 0

    chunks_per_w = -(-e // (NW * CHUNK))
    e_pad = NW * CHUNK * chunks_per_w
    stripe = -(-(n + 1) // NS)
    stripe = -(-stripe // CHUNK) * CHUNK
    n_acc = stripe * NS

    src = edge_index[0].astype(jnp.int32)
    dst = edge_index[1].astype(jnp.int32)
    if e_pad > e:
        npad = e_pad - e
        trash = n + jax.lax.rem(jnp.arange(npad, dtype=jnp.int32),
                                jnp.int32(n_acc - n))
        src = jnp.concatenate([src, jnp.zeros((npad,), jnp.int32)])
        dst = jnp.concatenate([dst, trash])

    sc_agg = _sc_aggregate_build(n, e_pad, n_acc)

    br1 = b_rel1.reshape(1, F)
    bl1 = b_lin1.reshape(1, F)
    br2 = b_rel2.reshape(1, F)
    bl2 = b_lin2.reshape(1, F)
    br3 = b_rel3.reshape(1, F)
    bl3 = b_lin3.reshape(1, F)

    z1, s1 = _tc_pre(x, W_rel1, W_root1, W_lin1, br1, bl1, n)
    p1 = sc_agg(z1, src, dst)
    z2, s2 = _tc_mid(p1, s1, W_rel2, W_root2, W_lin2, br2, bl2, n)
    p2 = sc_agg(z2, src, dst)
    z3, s3 = _tc_mid(p2, s2, W_rel3, W_root3, W_lin3, br3, bl3, n)
    p3 = sc_agg(z3, src, dst)
    return _tc_final(p3, s3, n)

# --- scband reference (transcript-rebuilt; emitter-appended) ---
"""Pipeline reference for scband-gnn-60559038874107 (READ-ONLY COPY).

The authoritative reference and input builder live on the scoring server;
editing this copy changes nothing except your own understanding.
"""

import jax, jax.numpy as jnp
import numpy as np

N = 10000
E = 320000
F_IN = 128
H = 128


def _graph_conv(x, src, dst, W_rel, b_rel, W_root, num_nodes):
    # PyG GraphConv (aggr='add'): out_i = W_rel @ sum_{j in N(i)} x_j + b_rel + W_root @ x_i
    msg = x[src]                       # gather [E, d]
    aggr = jnp.zeros((num_nodes, x.shape[1]), dtype=x.dtype).at[dst].add(msg)  # scatter-add
    return aggr @ W_rel.T + b_rel + x @ W_root.T


def setup_inputs(seed: int = 0) -> dict:
    key = jax.random.key(seed)
    ks = jax.random.split(key, 20)
    x = jax.random.normal(ks[0], (N, F_IN), dtype=jnp.float32)
    edge_index = jax.random.randint(ks[1], (2, E), 0, N, dtype=jnp.int64)

    def lin_w(k, out_d, in_d):
        return jax.random.normal(k, (out_d, in_d), dtype=jnp.float32) * (1.0 / np.sqrt(in_d))

    params = {
        'W_rel1': lin_w(ks[2], H, F_IN), 'b_rel1': jnp.zeros((H,), jnp.float32), 'W_root1': lin_w(ks[3], H, F_IN),
        'W_lin1': lin_w(ks[4], H, F_IN), 'b_lin1': jnp.zeros((H,), jnp.float32),
        'W_rel2': lin_w(ks[5], H, H), 'b_rel2': jnp.zeros((H,), jnp.float32), 'W_root2': lin_w(ks[6], H, H),
        'W_lin2': lin_w(ks[7], H, H), 'b_lin2': jnp.zeros((H,), jnp.float32),
        'W_rel3': lin_w(ks[8], H, H), 'b_rel3': jnp.zeros((H,), jnp.float32), 'W_root3': lin_w(ks[9], H, H),
        'W_lin3': lin_w(ks[10], H, H), 'b_lin3': jnp.zeros((H,), jnp.float32),
    }
    return {'x': x, 'edge_index': edge_index, **params}


def reference(x, edge_index,
              W_rel1, b_rel1, W_root1, W_lin1, b_lin1,
              W_rel2, b_rel2, W_root2, W_lin2, b_lin2,
              W_rel3, b_rel3, W_root3, W_lin3, b_lin3):
    src = edge_index[0]
    dst = edge_index[1]
    n = x.shape[0]
    x1 = _graph_conv(x, src, dst, W_rel1, b_rel1, W_root1, n) + (x @ W_lin1.T + b_lin1)
    x1 = jax.nn.relu(x1)
    x2 = _graph_conv(x1, src, dst, W_rel2, b_rel2, W_root2, n) + (x1 @ W_lin2.T + b_lin2)
    x2 = jax.nn.relu(x2)
    x3 = _graph_conv(x2, src, dst, W_rel3, b_rel3, W_root3, n) + (x2 @ W_lin3.T + b_lin3)
    return x3

if __name__ == "__main__":
    import jax
    _d = setup_inputs()
    print(jax.jit(kernel)(*tuple(_d.values())))

</pallas_src>

<mosaic_0001>
#map = affine_map<(d0, d1) -> (0, 0)>
#map1 = affine_map<(d0, d1) -> (0)>
#map2 = affine_map<(d0, d1) -> (0, 0, 0)>
module attributes {stable_mosaic.version = 14 : i64} {
  func.func @sc_kernel(%arg0: i32, %arg1: i32, %arg2: memref<10000x128xf32, #tpu.memory_space<hbm>>, %arg3: memref<323584xi32, #tpu.memory_space<hbm>>, %arg4: memref<323584xi32, #tpu.memory_space<hbm>>, %arg5: memref<2x10240x128xf32, #tpu.memory_space<hbm>>, %arg6: memref<128xi32, #tpu.memory_space<vmem>>, %arg7: memref<128xi32, #tpu.memory_space<vmem>>, %arg8: memref<128x128xf32, #tpu.memory_space<vmem>>, %arg9: memref<10240x128xf32, #tpu.memory_space<vmem_shared>>, %arg10: memref<!tpu.dma_semaphore, #tpu.memory_space<semaphore_mem>>) attributes {dimension_semantics = [#tpu.dimension_semantics<core_parallel>, #tpu.dimension_semantics<subcore_parallel>], iteration_bounds = array<i64: 2, 16>, scalar_prefetch = 0 : i64, scratch_operands = 5 : i64, tpu.core_type = #tpu.core_type<sc_vector_subcore>, window_params = [{transform_indices = #map}, {transform_indices = #map1}, {transform_indices = #map1}, {transform_indices = #map2}]} {
    %mul3A = arith.constant 16 : i32
    %mul3A_0 = arith.muli %arg0, %mul3A : i32
    %add3A = arith.addi %mul3A_0, %arg1 : i32
    %broadcast_in_dim3A = arith.constant 0.000000e+00 : f32
    %broadcast_in_dim3A_1 = vector.broadcast %broadcast_in_dim3A : f32 to vector<16xf32>
    %scan3A = arith.constant 0 : i32
    %scan3A_2 = arith.constant 0 : i32
    %scan3A_3 = arith.constant 128 : i32
    %scan3A_4 = arith.addi %scan3A_2, %scan3A_3 : i32
    %scan3A_5 = arith.constant 1 : i32
    %scan3A_6 = scf.for %scan3A_44 = %scan3A_2 to %scan3A_4 step %scan3A_5 iter_args(%scan3A_45 = %scan3A) -> (i32)  : i32 {
      %swap3A = arith.index_cast %scan3A_44 : i32 to index
      %swap3A_46 = arith.constant 0 : index
      %swap3A_47 = tpu.vector_load %arg8[%swap3A, %swap3A_46] {strides = array<i32>} : memref<128x128xf32, #tpu.memory_space<vmem>>, vector<1x16xf32>,
      %swap3A_48 = vector.shape_cast %swap3A_47 : vector<1x16xf32> to vector<16xf32>
      %swap3A_49 = vector.shape_cast %broadcast_in_dim3A_1 : vector<16xf32> to vector<1x16xf32>
      tpu.vector_store %arg8[%swap3A, %swap3A_46], %swap3A_49 {strides = array<i32>} : memref<128x128xf32, #tpu.memory_space<vmem>>, vector<1x16xf32>,
      %swap3A_50 = arith.index_cast %scan3A_44 : i32 to index
      %swap3A_51 = arith.constant 16 : index
      %swap3A_52 = tpu.vector_load %arg8[%swap3A_50, %swap3A_51] {strides = array<i32>} : memref<128x128xf32, #tpu.memory_space<vmem>>, vector<1x16xf32>,
      %swap3A_53 = vector.shape_cast %swap3A_52 : vector<1x16xf32> to vector<16xf32>
      %swap3A_54 = vector.shape_cast %broadcast_in_dim3A_1 : vector<16xf32> to vector<1x16xf32>
      tpu.vector_store %arg8[%swap3A_50, %swap3A_51], %swap3A_54 {strides = array<i32>} : memref<128x128xf32, #tpu.memory_space<vmem>>, vector<1x16xf32>,
      %swap3A_55 = arith.index_cast %scan3A_44 : i32 to index
      %swap3A_56 = arith.constant 32 : index
      %swap3A_57 = tpu.vector_load %arg8[%swap3A_55, %swap3A_56] {strides = array<i32>} : memref<128x128xf32, #tpu.memory_space<vmem>>, vector<1x16xf32>,
      %swap3A_58 = vector.shape_cast %swap3A_57 : vector<1x16xf32> to vector<16xf32>
      %swap3A_59 = vector.shape_cast %broadcast_in_dim3A_1 : vector<16xf32> to vector<1x16xf32>
      tpu.vector_store %arg8[%swap3A_55, %swap3A_56], %swap3A_59 {strides = array<i32>} : memref<128x128xf32, #tpu.memory_space<vmem>>, vector<1x16xf32>,
      %swap3A_60 = arith.index_cast %scan3A_44 : i32 to index
      %swap3A_61 = arith.constant 48 : index
      %swap3A_62 = tpu.vector_load %arg8[%swap3A_60, %swap3A_61] {strides = array<i32>} : memref<128x128xf32, #tpu.memory_space<vmem>>, vector<1x16xf32>,
      %swap3A_63 = vector.shape_cast %swap3A_62 : vector<1x16xf32> to vector<16xf32>
      %swap3A_64 = vector.shape_cast %broadcast_in_dim3A_1 : vector<16xf32> to vector<1x16xf32>
      tpu.vector_store %arg8[%swap3A_60, %swap3A_61], %swap3A_64 {strides = array<i32>} : memref<128x128xf32, #tpu.memory_space<vmem>>, vector<1x16xf32>,
      %swap3A_65 = arith.index_cast %scan3A_44 : i32 to index
      %swap3A_66 = arith.constant 64 : index
      %swap3A_67 = tpu.vector_load %arg8[%swap3A_65, %swap3A_66] {strides = array<i32>} : memref<128x128xf32, #tpu.memory_space<vmem>>, vector<1x16xf32>,
      %swap3A_68 = vector.shape_cast %swap3A_67 : vector<1x16xf32> to vector<16xf32>
      %swap3A_69 = vector.shape_cast %broadcast_in_dim3A_1 : vector<16xf32> to vector<1x16xf32>
      tpu.vector_store %arg8[%swap3A_65, %swap3A_66], %swap3A_69 {strides = array<i32>} : memref<128x128xf32, #tpu.memory_space<vmem>>, vector<1x16xf32>,
      %swap3A_70 = arith.index_cast %scan3A_44 : i32 to index
      %swap3A_71 = arith.constant 80 : index
      %swap3A_72 = tpu.vector_load %arg8[%swap3A_70, %swap3A_71] {strides = array<i32>} : memref<128x128xf32, #tpu.memory_space<vmem>>, vector<1x16xf32>,
      %swap3A_73 = vector.shape_cast %swap3A_72 : vector<1x16xf32> to vector<16xf32>
      %swap3A_74 = vector.shape_cast %broadcast_in_dim3A_1 : vector<16xf32> to vector<1x16xf32>
      tpu.vector_store %arg8[%swap3A_70, %swap3A_71], %swap3A_74 {strides = array<i32>} : memref<128x128xf32, #tpu.memory_space<vmem>>, vector<1x16xf32>,
      %swap3A_75 = arith.index_cast %scan3A_44 : i32 to index
      %swap3A_76 = arith.constant 96 : index
      %swap3A_77 = tpu.vector_load %arg8[%swap3A_75, %swap3A_76] {strides = array<i32>} : memref<128x128xf32, #tpu.memory_space<vmem>>, vector<1x16xf32>,
      %swap3A_78 = vector.shape_cast %swap3A_77 : vector<1x16xf32> to vector<16xf32>
      %swap3A_79 = vector.shape_cast %broadcast_in_dim3A_1 : vector<16xf32> to vector<1x16xf32>
      tpu.vector_store %arg8[%swap3A_75, %swap3A_76], %swap3A_79 {strides = array<i32>} : memref<128x128xf32, #tpu.memory_space<vmem>>, vector<1x16xf32>,
      %swap3A_80 = arith.index_cast %scan3A_44 : i32 to index
      %swap3A_81 = arith.constant 112 : index
      %swap3A_82 = tpu.vector_load %arg8[%swap3A_80, %swap3A_81] {strides = array<i32>} : memref<128x128xf32, #tpu.memory_space<vmem>>, vector<1x16xf32>,
      %swap3A_83 = vector.shape_cast %swap3A_82 : vector<1x16xf32> to vector<16xf32>
      %swap3A_84 = vector.shape_cast %broadcast_in_dim3A_1 : vector<16xf32> to vector<1x16xf32>
      tpu.vector_store %arg8[%swap3A_80, %swap3A_81], %swap3A_84 {strides = array<i32>} : memref<128x128xf32, #tpu.memory_space<vmem>>, vector<1x16xf32>,
      %scan3A_85 = arith.constant 0 : i32
      scf.yield %scan3A_85 : i32
    }
    %scan3A_7 = arith.constant 128 : i32
    %mul3A_8 = arith.constant 640 : i32
    %mul3A_9 = arith.muli %arg1, %mul3A_8 : i32
    %add3A_10 = arith.constant 0 : i32
    %add3A_11 = arith.addi %mul3A_9, %add3A_10 : i32
    "tpu.region"() ({
      %run_scoped3A = tpu.sem_alloc : memref<!tpu.dma_semaphore, #tpu.memory_space<semaphore_mem>>
      %dma_start3A = arith.constant 0 : i32
      %dma_start3A_44 = tpu.memref_slice %arg9[%add3A_11, %dma_start3A] : memref<10240x128xf32, #tpu.memory_space<vmem_shared>> -> memref<128x128xf32, #tpu.memory_space<vmem_shared>>
      %dma_start3A_45 = arith.constant 0 : i32
      %dma_start3A_46 = tpu.memref_slice %arg9[%add3A_11, %dma_start3A_45] : memref<10240x128xf32, #tpu.memory_space<vmem_shared>> -> memref<128x128xf32, #tpu.memory_space<vmem_shared>>
      tpu.enqueue_dma source(%arg8 : memref<128x128xf32, #tpu.memory_space<vmem>>) target(%dma_start3A_46 : memref<128x128xf32, #tpu.memory_space<vmem_shared>>) target_semaphore(%run_scoped3A : memref<!tpu.dma_semaphore, #tpu.memory_space<semaphore_mem>>)
      %dma_wait3A = arith.constant 0 : i32
      %dma_wait3A_47 = tpu.memref_slice %arg9[%add3A_11, %dma_wait3A] : memref<10240x128xf32, #tpu.memory_space<vmem_shared>> -> memref<128x128xf32, #tpu.memory_space<vmem_shared>>
      %dma_wait3A_48 = arith.constant 0 : i32
      %dma_wait3A_49 = tpu.memref_slice %arg9[%add3A_11, %dma_wait3A_48] : memref<10240x128xf32, #tpu.memory_space<vmem_shared>> -> memref<128x128xf32, #tpu.memory_space<vmem_shared>>
      tpu.wait_dma2 semaphore(%run_scoped3A : memref<!tpu.dma_semaphore, #tpu.memory_space<semaphore_mem>>) src(%arg8 : memref<128x128xf32, #tpu.memory_space<vmem>>) dst(%dma_wait3A_49 : memref<128x128xf32, #tpu.memory_space<vmem_shared>>)
      tpu.yield
    }) : () -> ()
    %mul3A_12 = arith.constant 640 : i32
    %mul3A_13 = arith.muli %arg1, %mul3A_12 : i32
    %add3A_14 = arith.constant 128 : i32
    %add3A_15 = arith.addi %mul3A_13, %add3A_14 : i32
    "tpu.region"() ({
      %run_scoped3A = tpu.sem_alloc : memref<!tpu.dma_semaphore, #tpu.memory_space<semaphore_mem>>
      %dma_start3A = arith.constant 0 : i32
      %dma_start3A_44 = tpu.memref_slice %arg9[%add3A_15, %dma_start3A] : memref<10240x128xf32, #tpu.memory_space<vmem_shared>> -> memref<128x128xf32, #tpu.memory_space<vmem_shared>>
      %dma_start3A_45 = arith.constant 0 : i32
      %dma_start3A_46 = tpu.memref_slice %arg9[%add3A_15, %dma_start3A_45] : memref<10240x128xf32, #tpu.memory_space<vmem_shared>> -> memref<128x128xf32, #tpu.memory_space<vmem_shared>>
      tpu.enqueue_dma source(%arg8 : memref<128x128xf32, #tpu.memory_space<vmem>>) target(%dma_start3A_46 : memref<128x128xf32, #tpu.memory_space<vmem_shared>>) target_semaphore(%run_scoped3A : memref<!tpu.dma_semaphore, #tpu.memory_space<semaphore_mem>>)
      %dma_wait3A = arith.constant 0 : i32
      %dma_wait3A_47 = tpu.memref_slice %arg9[%add3A_15, %dma_wait3A] : memref<10240x128xf32, #tpu.memory_space<vmem_shared>> -> memref<128x128xf32, #tpu.memory_space<vmem_shared>>
      %dma_wait3A_48 = arith.constant 0 : i32
      %dma_wait3A_49 = tpu.memref_slice %arg9[%add3A_15, %dma_wait3A_48] : memref<10240x128xf32, #tpu.memory_space<vmem_shared>> -> memref<128x128xf32, #tpu.memory_space<vmem_shared>>
      tpu.wait_dma2 semaphore(%run_scoped3A : memref<!tpu.dma_semaphore, #tpu.memory_space<semaphore_mem>>) src(%arg8 : memref<128x128xf32, #tpu.memory_space<vmem>>) dst(%dma_wait3A_49 : memref<128x128xf32, #tpu.memory_space<vmem_shared>>)
      tpu.yield
    }) : () -> ()
    %mul3A_16 = arith.constant 640 : i32
    %mul3A_17 = arith.muli %arg1, %mul3A_16 : i32
    %add3A_18 = arith.constant 256 : i32
    %add3A_19 = arith.addi %mul3A_17, %add3A_18 : i32
    "tpu.region"() ({
      %run_scoped3A = tpu.sem_alloc : memref<!tpu.dma_semaphore, #tpu.memory_space<semaphore_mem>>
      %dma_start3A = arith.constant 0 : i32
      %dma_start3A_44 = tpu.memref_slice %arg9[%add3A_19, %dma_start3A] : memref<10240x128xf32, #tpu.memory_space<vmem_shared>> -> memref<128x128xf32, #tpu.memory_space<vmem_shared>>
      %dma_start3A_45 = arith.constant 0 : i32
      %dma_start3A_46 = tpu.memref_slice %arg9[%add3A_19, %dma_start3A_45] : memref<10240x128xf32, #tpu.memory_space<vmem_shared>> -> memref<128x128xf32, #tpu.memory_space<vmem_shared>>
      tpu.enqueue_dma source(%arg8 : memref<128x128xf32, #tpu.memory_space<vmem>>) target(%dma_start3A_46 : memref<128x128xf32, #tpu.memory_space<vmem_shared>>) target_semaphore(%run_scoped3A : memref<!tpu.dma_semaphore, #tpu.memory_space<semaphore_mem>>)
      %dma_wait3A = arith.constant 0 : i32
      %dma_wait3A_47 = tpu.memref_slice %arg9[%add3A_19, %dma_wait3A] : memref<10240x128xf32, #tpu.memory_space<vmem_shared>> -> memref<128x128xf32, #tpu.memory_space<vmem_shared>>
      %dma_wait3A_48 = arith.constant 0 : i32
      %dma_wait3A_49 = tpu.memref_slice %arg9[%add3A_19, %dma_wait3A_48] : memref<10240x128xf32, #tpu.memory_space<vmem_shared>> -> memref<128x128xf32, #tpu.memory_space<vmem_shared>>
      tpu.wait_dma2 semaphore(%run_scoped3A : memref<!tpu.dma_semaphore, #tpu.memory_space<semaphore_mem>>) src(%arg8 : memref<128x128xf32, #tpu.memory_space<vmem>>) dst(%dma_wait3A_49 : memref<128x128xf32, #tpu.memory_space<vmem_shared>>)
      tpu.yield
    }) : () -> ()
    %mul3A_20 = arith.constant 640 : i32
    %mul3A_21 = arith.muli %arg1, %mul3A_20 : i32
    %add3A_22 = arith.constant 384 : i32
    %add3A_23 = arith.addi %mul3A_21, %add3A_22 : i32
    "tpu.region"() ({
      %run_scoped3A = tpu.sem_alloc : memref<!tpu.dma_semaphore, #tpu.memory_space<semaphore_mem>>
      %dma_start3A = arith.constant 0 : i32
      %dma_start3A_44 = tpu.memref_slice %arg9[%add3A_23, %dma_start3A] : memref<10240x128xf32, #tpu.memory_space<vmem_shared>> -> memref<128x128xf32, #tpu.memory_space<vmem_shared>>
      %dma_start3A_45 = arith.constant 0 : i32
      %dma_start3A_46 = tpu.memref_slice %arg9[%add3A_23, %dma_start3A_45] : memref<10240x128xf32, #tpu.memory_space<vmem_shared>> -> memref<128x128xf32, #tpu.memory_space<vmem_shared>>
      tpu.enqueue_dma source(%arg8 : memref<128x128xf32, #tpu.memory_space<vmem>>) target(%dma_start3A_46 : memref<128x128xf32, #tpu.memory_space<vmem_shared>>) target_semaphore(%run_scoped3A : memref<!tpu.dma_semaphore, #tpu.memory_space<semaphore_mem>>)
      %dma_wait3A = arith.constant 0 : i32
      %dma_wait3A_47 = tpu.memref_slice %arg9[%add3A_23, %dma_wait3A] : memref<10240x128xf32, #tpu.memory_space<vmem_shared>> -> memref<128x128xf32, #tpu.memory_space<vmem_shared>>
      %dma_wait3A_48 = arith.constant 0 : i32
      %dma_wait3A_49 = tpu.memref_slice %arg9[%add3A_23, %dma_wait3A_48] : memref<10240x128xf32, #tpu.memory_space<vmem_shared>> -> memref<128x128xf32, #tpu.memory_space<vmem_shared>>
      tpu.wait_dma2 semaphore(%run_scoped3A : memref<!tpu.dma_semaphore, #tpu.memory_space<semaphore_mem>>) src(%arg8 : memref<128x128xf32, #tpu.memory_space<vmem>>) dst(%dma_wait3A_49 : memref<128x128xf32, #tpu.memory_space<vmem_shared>>)
      tpu.yield
    }) : () -> ()
    %mul3A_24 = arith.constant 640 : i32
    %mul3A_25 = arith.muli %arg1, %mul3A_24 : i32
    %add3A_26 = arith.constant 512 : i32
    %add3A_27 = arith.addi %mul3A_25, %add3A_26 : i32
    "tpu.region"() ({
      %run_scoped3A = tpu.sem_alloc : memref<!tpu.dma_semaphore, #tpu.memory_space<semaphore_mem>>
      %dma_start3A = arith.constant 0 : i32
      %dma_start3A_44 = tpu.memref_slice %arg9[%add3A_27, %dma_start3A] : memref<10240x128xf32, #tpu.memory_space<vmem_shared>> -> memref<128x128xf32, #tpu.memory_space<vmem_shared>>
      %dma_start3A_45 = arith.constant 0 : i32
      %dma_start3A_46 = tpu.memref_slice %arg9[%add3A_27, %dma_start3A_45] : memref<10240x128xf32, #tpu.memory_space<vmem_shared>> -> memref<128x128xf32, #tpu.memory_space<vmem_shared>>
      tpu.enqueue_dma source(%arg8 : memref<128x128xf32, #tpu.memory_space<vmem>>) target(%dma_start3A_46 : memref<128x128xf32, #tpu.memory_space<vmem_shared>>) target_semaphore(%run_scoped3A : memref<!tpu.dma_semaphore, #tpu.memory_space<semaphore_mem>>)
      %dma_wait3A = arith.constant 0 : i32
      %dma_wait3A_47 = tpu.memref_slice %arg9[%add3A_27, %dma_wait3A] : memref<10240x128xf32, #tpu.memory_space<vmem_shared>> -> memref<128x128xf32, #tpu.memory_space<vmem_shared>>
      %dma_wait3A_48 = arith.constant 0 : i32
      %dma_wait3A_49 = tpu.memref_slice %arg9[%add3A_27, %dma_wait3A_48] : memref<10240x128xf32, #tpu.memory_space<vmem_shared>> -> memref<128x128xf32, #tpu.memory_space<vmem_shared>>
      tpu.wait_dma2 semaphore(%run_scoped3A : memref<!tpu.dma_semaphore, #tpu.memory_space<semaphore_mem>>) src(%arg8 : memref<128x128xf32, #tpu.memory_space<vmem>>) dst(%dma_wait3A_49 : memref<128x128xf32, #tpu.memory_space<vmem_shared>>)
      tpu.yield
    }) : () -> ()
    %barrier3A = arith.constant 0 : index
    tpu.barrier barrier_id(%barrier3A)
    %mul3A_28 = arith.constant 79 : i32
    %mul3A_29 = arith.muli %add3A, %mul3A_28 : i32
    %mul3A_30 = arith.constant 128 : i32
    %mul3A_31 = arith.muli %mul3A_29, %mul3A_30 : i32
    %scan3A_32 = arith.constant 0 : i32
    %scan3A_33 = arith.constant 0 : i32
    %scan3A_34 = arith.constant 79 : i32
    %scan3A_35 = arith.addi %scan3A_33, %scan3A_34 : i32
    %scan3A_36 = arith.constant 1 : i32
    %scan3A_37 = scf.for %scan3A_44 = %scan3A_33 to %scan3A_35 step %scan3A_36 iter_args(%scan3A_45 = %scan3A_32) -> (i32)  : i32 {
      %mul3A_46 = arith.constant 128 : i32
      %mul3A_47 = arith.muli %scan3A_44, %mul3A_46 : i32
      %add3A_48 = arith.addi %mul3A_31, %mul3A_47 : i32
      "tpu.region"() ({
        %run_scoped3A = tpu.sem_alloc : memref<!tpu.dma_semaphore, #tpu.memory_space<semaphore_mem>>
        %dma_start3A_54 = tpu.memref_slice %arg3[%add3A_48] : memref<323584xi32, #tpu.memory_space<hbm>> -> memref<128xi32, #tpu.memory_space<hbm>>
        %dma_start3A_55 = tpu.memref_slice %arg3[%add3A_48] : memref<323584xi32, #tpu.memory_space<hbm>> -> memref<128xi32, #tpu.memory_space<hbm>>
        tpu.enqueue_dma source(%dma_start3A_55 : memref<128xi32, #tpu.memory_space<hbm>>) target(%arg6 : memref<128xi32, #tpu.memory_space<vmem>>) target_semaphore(%run_scoped3A : memref<!tpu.dma_semaphore, #tpu.memory_space<semaphore_mem>>)
        %dma_wait3A_56 = tpu.memref_slice %arg3[%add3A_48] : memref<323584xi32, #tpu.memory_space<hbm>> -> memref<128xi32, #tpu.memory_space<hbm>>
        %dma_wait3A_57 = tpu.memref_slice %arg3[%add3A_48] : memref<323584xi32, #tpu.memory_space<hbm>> -> memref<128xi32, #tpu.memory_space<hbm>>
        tpu.wait_dma2 semaphore(%run_scoped3A : memref<!tpu.dma_semaphore, #tpu.memory_space<semaphore_mem>>) src(%dma_wait3A_57 : memref<128xi32, #tpu.memory_space<hbm>>) dst(%arg6 : memref<128xi32, #tpu.memory_space<vmem>>)
        tpu.yield
      }) : () -> ()
      "tpu.region"() ({
        %run_scoped3A = tpu.sem_alloc : memref<!tpu.dma_semaphore, #tpu.memory_space<semaphore_mem>>
        %dma_start3A_54 = tpu.memref_slice %arg4[%add3A_48] : memref<323584xi32, #tpu.memory_space<hbm>> -> memref<128xi32, #tpu.memory_space<hbm>>
        %dma_start3A_55 = tpu.memref_slice %arg4[%add3A_48] : memref<323584xi32, #tpu.memory_space<hbm>> -> memref<128xi32, #tpu.memory_space<hbm>>
        tpu.enqueue_dma source(%dma_start3A_55 : memref<128xi32, #tpu.memory_space<hbm>>) target(%arg7 : memref<128xi32, #tpu.memory_space<vmem>>) target_semaphore(%run_scoped3A : memref<!tpu.dma_semaphore, #tpu.memory_space<semaphore_mem>>)
        %dma_wait3A_56 = tpu.memref_slice %arg4[%add3A_48] : memref<323584xi32, #tpu.memory_space<hbm>> -> memref<128xi32, #tpu.memory_space<hbm>>
        %dma_wait3A_57 = tpu.memref_slice %arg4[%add3A_48] : memref<323584xi32, #tpu.memory_space<hbm>> -> memref<128xi32, #tpu.memory_space<hbm>>
        tpu.wait_dma2 semaphore(%run_scoped3A : memref<!tpu.dma_semaphore, #tpu.memory_space<semaphore_mem>>) src(%dma_wait3A_57 : memref<128xi32, #tpu.memory_space<hbm>>) dst(%arg7 : memref<128xi32, #tpu.memory_space<vmem>>)
        tpu.yield
      }) : () -> ()
      %dma_start3A = arith.constant 0 : i32
      %dma_start3A_49 = arith.constant 0 : i32
      %dma_start3A_50 = tpu.memref_slice %arg2[%dma_start3A, %dma_start3A_49] : memref<10000x128xf32, #tpu.memory_space<hbm>> -> memref<10000x128xf32, #tpu.memory_space<hbm>>
      tpu.enqueue_indirect_dma source(%dma_start3A_50 : memref<10000x128xf32, #tpu.memory_space<hbm>>) target(%arg8 : memref<128x128xf32, #tpu.memory_space<vmem>>) offsets(%arg6 : memref<128xi32, #tpu.memory_space<vmem>>) semaphore(%arg10 : memref<!tpu.dma_semaphore, #tpu.memory_space<semaphore_mem>>)
      %dma_wait3A = arith.constant 0 : i32
      %dma_wait3A_51 = arith.constant 0 : i32
      %dma_wait3A_52 = tpu.memref_slice %arg2[%dma_wait3A, %dma_wait3A_51] : memref<10000x128xf32, #tpu.memory_space<hbm>> -> memref<10000x128xf32, #tpu.memory_space<hbm>>
      tpu.wait_indirect_dma semaphore(%arg10 : memref<!tpu.dma_semaphore, #tpu.memory_space<semaphore_mem>>) src(%dma_wait3A_52 : memref<10000x128xf32, #tpu.memory_space<hbm>>) dst(%arg8 : memref<128x128xf32, #tpu.memory_space<vmem>>)
      "tpu.region"() ({
        %run_scoped3A = tpu.sem_alloc : memref<!tpu.dma_semaphore, #tpu.memory_space<semaphore_mem>>
        %dma_start3A_54 = arith.constant 0 : i32
        %dma_start3A_55 = arith.constant 0 : i32
        %dma_start3A_56 = tpu.memref_slice %arg9[%dma_start3A_54, %dma_start3A_55] : memref<10240x128xf32, #tpu.memory_space<vmem_shared>> -> memref<10240x128xf32, #tpu.memory_space<vmem_shared>>
        tpu.enqueue_indirect_dma source(%arg8 : memref<128x128xf32, #tpu.memory_space<vmem>>) target(%dma_start3A_56 : memref<10240x128xf32, #tpu.memory_space<vmem_shared>>) offsets(%arg7 : memref<128xi32, #tpu.memory_space<vmem>>) semaphore(%run_scoped3A : memref<!tpu.dma_semaphore, #tpu.memory_space<semaphore_mem>>) {add = true}
        %dma_wait3A_57 = arith.constant 0 : i32
        %dma_wait3A_58 = arith.constant 0 : i32
        %dma_wait3A_59 = tpu.memref_slice %arg9[%dma_wait3A_57, %dma_wait3A_58] : memref<10240x128xf32, #tpu.memory_space<vmem_shared>> -> memref<10240x128xf32, #tpu.memory_space<vmem_shared>>
        tpu.wait_indirect_dma semaphore(%run_scoped3A : memref<!tpu.dma_semaphore, #tpu.memory_space<semaphore_mem>>) src(%arg8 : memref<128x128xf32, #tpu.memory_space<vmem>>) dst(%dma_wait3A_59 : memref<10240x128xf32, #tpu.memory_space<vmem_shared>>)
        tpu.yield
      }) : () -> ()
      %scan3A_53 = arith.constant 0 : i32
      scf.yield %scan3A_53 : i32
    }
    %scan3A_38 = arith.constant 79 : i32
    %barrier3A_39 = arith.constant 0 : index
    tpu.barrier barrier_id(%barrier3A_39)
    %mul3A_40 = arith.constant 640 : i32
    %mul3A_41 = arith.muli %arg1, %mul3A_40 : i32
    %mul3A_42 = arith.constant 640 : i32
    %mul3A_43 = arith.muli %arg1, %mul3A_42 : i32
    "tpu.region"() ({
      %run_scoped3A = tpu.sem_alloc : memref<!tpu.dma_semaphore, #tpu.memory_space<semaphore_mem>>
      %dma_start3A = arith.constant 0 : i32
      %dma_start3A_44 = tpu.memref_slice %arg5[%arg0, %mul3A_43, %dma_start3A] : memref<2x10240x128xf32, #tpu.memory_space<hbm>> -> memref<1x640x128xf32, #tpu.memory_space<hbm>>
      %dma_start3A_45 = tpu.memref_squeeze %dma_start3A_44 : memref<1x640x128xf32, #tpu.memory_space<hbm>> -> memref<640x128xf32, #tpu.memory_space<hbm>>
      %dma_start3A_46 = arith.constant 0 : i32
      %dma_start3A_47 = tpu.memref_slice %arg9[%mul3A_41, %dma_start3A_46] : memref<10240x128xf32, #tpu.memory_space<vmem_shared>> -> memref<640x128xf32, #tpu.memory_space<vmem_shared>>
      tpu.enqueue_dma source(%dma_start3A_47 : memref<640x128xf32, #tpu.memory_space<vmem_shared>>) target(%dma_start3A_45 : memref<640x128xf32, #tpu.memory_space<hbm>>) target_semaphore(%run_scoped3A : memref<!tpu.dma_semaphore, #tpu.memory_space<semaphore_mem>>)
      %dma_wait3A = arith.constant 0 : i32
      %dma_wait3A_48 = tpu.memref_slice %arg5[%arg0, %mul3A_43, %dma_wait3A] : memref<2x10240x128xf32, #tpu.memory_space<hbm>> -> memref<1x640x128xf32, #tpu.memory_space<hbm>>
      %dma_wait3A_49 = tpu.memref_squeeze %dma_wait3A_48 : memref<1x640x128xf32, #tpu.memory_space<hbm>> -> memref<640x128xf32, #tpu.memory_space<hbm>>
      %dma_wait3A_50 = arith.constant 0 : i32
      %dma_wait3A_51 = tpu.memref_slice %arg9[%mul3A_41, %dma_wait3A_50] : memref<10240x128xf32, #tpu.memory_space<vmem_shared>> -> memref<640x128xf32, #tpu.memory_space<vmem_shared>>
      tpu.wait_dma2 semaphore(%run_scoped3A : memref<!tpu.dma_semaphore, #tpu.memory_space<semaphore_mem>>) src(%dma_wait3A_51 : memref<640x128xf32, #tpu.memory_space<vmem_shared>>) dst(%dma_wait3A_49 : memref<640x128xf32, #tpu.memory_space<hbm>>)
      tpu.yield
    }) : () -> ()
    return
  }
}

#map = affine_map<(d0, d1) -> (0, 0)>
#map1 = affine_map<(d0, d1) -> (0)>
#map2 = affine_map<(d0, d1) -> (0, 0, 0)>
module attributes {stable_mosaic.version = 14 : i64} {
  func.func @sc_kernel(%arg0: i32, %arg1: i32, %arg2: memref<10000x128xf32, #tpu.memory_space<hbm>>, %arg3: memref<323584xi32, #tpu.memory_space<hbm>>, %arg4: memref<323584xi32, #tpu.memory_space<hbm>>, %arg5: memref<2x10240x128xf32, #tpu.memory_space<hbm>>, %arg6: memref<128xi32, #tpu.memory_space<vmem>>, %arg7: memref<128xi32, #tpu.memory_space<vmem>>, %arg8: memref<128x128xf32, #tpu.memory_space<vmem>>, %arg9: memref<10240x128xf32, #tpu.memory_space<vmem_shared>>, %arg10: memref<!tpu.dma_semaphore, #tpu.memory_space<semaphore_mem>>) attributes {dimension_semantics = [#tpu.dimension_semantics<core_parallel>, #tpu.dimension_semantics<subcore_parallel>], iteration_bounds = array<i64: 2, 16>, scalar_prefetch = 0 : i64, scratch_operands = 5 : i64, tpu.core_type = #tpu.core_type<sc_vector_subcore>, window_params = [{transform_indices = #map}, {transform_indices = #map1}, {transform_indices = #map1}, {transform_indices = #map2}]} {
    %mul3A = arith.constant 16 : i32
    %mul3A_0 = arith.muli %arg0, %mul3A : i32
    %add3A = arith.addi %mul3A_0, %arg1 : i32
    %broadcast_in_dim3A = arith.constant 0.000000e+00 : f32
    %broadcast_in_dim3A_1 = vector.broadcast %broadcast_in_dim3A : f32 to vector<16xf32>
    %scan3A = arith.constant 0 : i32
    %scan3A_2 = arith.constant 0 : i32
    %scan3A_3 = arith.constant 128 : i32
    %scan3A_4 = arith.addi %scan3A_2, %scan3A_3 : i32
    %scan3A_5 = arith.constant 1 : i32
    %scan3A_6 = scf.for %scan3A_44 = %scan3A_2 to %scan3A_4 step %scan3A_5 iter_args(%scan3A_45 = %scan3A) -> (i32)  : i32 {
      %swap3A = arith.index_cast %scan3A_44 : i32 to index
      %swap3A_46 = arith.constant 0 : index
      %swap3A_47 = tpu.vector_load %arg8[%swap3A, %swap3A_46] {strides = array<i32>} : memref<128x128xf32, #tpu.memory_space<vmem>>, vector<1x16xf32>,
      %swap3A_48 = vector.shape_cast %swap3A_47 : vector<1x16xf32> to vector<16xf32>
      %swap3A_49 = vector.shape_cast %broadcast_in_dim3A_1 : vector<16xf32> to vector<1x16xf32>
      tpu.vector_store %arg8[%swap3A, %swap3A_46], %swap3A_49 {strides = array<i32>} : memref<128x128xf32, #tpu.memory_space<vmem>>, vector<1x16xf32>,
      %swap3A_50 = arith.index_cast %scan3A_44 : i32 to index
      %swap3A_51 = arith.constant 16 : index
      %swap3A_52 = tpu.vector_load %arg8[%swap3A_50, %swap3A_51] {strides = array<i32>} : memref<128x128xf32, #tpu.memory_space<vmem>>, vector<1x16xf32>,
      %swap3A_53 = vector.shape_cast %swap3A_52 : vector<1x16xf32> to vector<16xf32>
      %swap3A_54 = vector.shape_cast %broadcast_in_dim3A_1 : vector<16xf32> to vector<1x16xf32>
      tpu.vector_store %arg8[%swap3A_50, %swap3A_51], %swap3A_54 {strides = array<i32>} : memref<128x128xf32, #tpu.memory_space<vmem>>, vector<1x16xf32>,
      %swap3A_55 = arith.index_cast %scan3A_44 : i32 to index
      %swap3A_56 = arith.constant 32 : index
      %swap3A_57 = tpu.vector_load %arg8[%swap3A_55, %swap3A_56] {strides = array<i32>} : memref<128x128xf32, #tpu.memory_space<vmem>>, vector<1x16xf32>,
      %swap3A_58 = vector.shape_cast %swap3A_57 : vector<1x16xf32> to vector<16xf32>
      %swap3A_59 = vector.shape_cast %broadcast_in_dim3A_1 : vector<16xf32> to vector<1x16xf32>
      tpu.vector_store %arg8[%swap3A_55, %swap3A_56], %swap3A_59 {strides = array<i32>} : memref<128x128xf32, #tpu.memory_space<vmem>>, vector<1x16xf32>,
      %swap3A_60 = arith.index_cast %scan3A_44 : i32 to index
      %swap3A_61 = arith.constant 48 : index
      %swap3A_62 = tpu.vector_load %arg8[%swap3A_60, %swap3A_61] {strides = array<i32>} : memref<128x128xf32, #tpu.memory_space<vmem>>, vector<1x16xf32>,
      %swap3A_63 = vector.shape_cast %swap3A_62 : vector<1x16xf32> to vector<16xf32>
      %swap3A_64 = vector.shape_cast %broadcast_in_dim3A_1 : vector<16xf32> to vector<1x16xf32>
      tpu.vector_store %arg8[%swap3A_60, %swap3A_61], %swap3A_64 {strides = array<i32>} : memref<128x128xf32, #tpu.memory_space<vmem>>, vector<1x16xf32>,
      %swap3A_65 = arith.index_cast %scan3A_44 : i32 to index
      %swap3A_66 = arith.constant 64 : index
      %swap3A_67 = tpu.vector_load %arg8[%swap3A_65, %swap3A_66] {strides = array<i32>} : memref<128x128xf32, #tpu.memory_space<vmem>>, vector<1x16xf32>,
      %swap3A_68 = vector.shape_cast %swap3A_67 : vector<1x16xf32> to vector<16xf32>
      %swap3A_69 = vector.shape_cast %broadcast_in_dim3A_1 : vector<16xf32> to vector<1x16xf32>
      tpu.vector_store %arg8[%swap3A_65, %swap3A_66], %swap3A_69 {strides = array<i32>} : memref<128x128xf32, #tpu.memory_space<vmem>>, vector<1x16xf32>,
      %swap3A_70 = arith.index_cast %scan3A_44 : i32 to index
      %swap3A_71 = arith.constant 80 : index
      %swap3A_72 = tpu.vector_load %arg8[%swap3A_70, %swap3A_71] {strides = array<i32>} : memref<128x128xf32, #tpu.memory_space<vmem>>, vector<1x16xf32>,
      %swap3A_73 = vector.shape_cast %swap3A_72 : vector<1x16xf32> to vector<16xf32>
      %swap3A_74 = vector.shape_cast %broadcast_in_dim3A_1 : vector<16xf32> to vector<1x16xf32>
      tpu.vector_store %arg8[%swap3A_70, %swap3A_71], %swap3A_74 {strides = array<i32>} : memref<128x128xf32, #tpu.memory_space<vmem>>, vector<1x16xf32>,
      %swap3A_75 = arith.index_cast %scan3A_44 : i32 to index
      %swap3A_76 = arith.constant 96 : index
      %swap3A_77 = tpu.vector_load %arg8[%swap3A_75, %swap3A_76] {strides = array<i32>} : memref<128x128xf32, #tpu.memory_space<vmem>>, vector<1x16xf32>,
      %swap3A_78 = vector.shape_cast %swap3A_77 : vector<1x16xf32> to vector<16xf32>
      %swap3A_79 = vector.shape_cast %broadcast_in_dim3A_1 : vector<16xf32> to vector<1x16xf32>
      tpu.vector_store %arg8[%swap3A_75, %swap3A_76], %swap3A_79 {strides = array<i32>} : memref<128x128xf32, #tpu.memory_space<vmem>>, vector<1x16xf32>,
      %swap3A_80 = arith.index_cast %scan3A_44 : i32 to index
      %swap3A_81 = arith.constant 112 : index
      %swap3A_82 = tpu.vector_load %arg8[%swap3A_80, %swap3A_81] {strides = array<i32>} : memref<128x128xf32, #tpu.memory_space<vmem>>, vector<1x16xf32>,
      %swap3A_83 = vector.shape_cast %swap3A_82 : vector<1x16xf32> to vector<16xf32>
      %swap3A_84 = vector.shape_cast %broadcast_in_dim3A_1 : vector<16xf32> to vector<1x16xf32>
      tpu.vector_store %arg8[%swap3A_80, %swap3A_81], %swap3A_84 {strides = array<i32>} : memref<128x128xf32, #tpu.memory_space<vmem>>, vector<1x16xf32>,
      %scan3A_85 = arith.constant 0 : i32
      scf.yield %scan3A_85 : i32
    }
    %scan3A_7 = arith.constant 128 : i32
    %mul3A_8 = arith.constant 640 : i32
    %mul3A_9 = arith.muli %arg1, %mul3A_8 : i32
    %add3A_10 = arith.constant 0 : i32
    %add3A_11 = arith.addi %mul3A_9, %add3A_10 : i32
    "tpu.region"() ({
      %run_scoped3A = tpu.sem_alloc : memref<!tpu.dma_semaphore, #tpu.memory_space<semaphore_mem>>
      %dma_start3A = arith.constant 0 : i32
      %dma_start3A_44 = tpu.memref_slice %arg9[%add3A_11, %dma_start3A] : memref<10240x128xf32, #tpu.memory_space<vmem_shared>> -> memref<128x128xf32, #tpu.memory_space<vmem_shared>>
      %dma_start3A_45 = arith.constant 0 : i32
      %dma_start3A_46 = tpu.memref_slice %arg9[%add3A_11, %dma_start3A_45] : memref<10240x128xf32, #tpu.memory_space<vmem_shared>> -> memref<128x128xf32, #tpu.memory_space<vmem_shared>>
      tpu.enqueue_dma source(%arg8 : memref<128x128xf32, #tpu.memory_space<vmem>>) target(%dma_start3A_46 : memref<128x128xf32, #tpu.memory_space<vmem_shared>>) target_semaphore(%run_scoped3A : memref<!tpu.dma_semaphore, #tpu.memory_space<semaphore_mem>>)
      %dma_wait3A = arith.constant 0 : i32
      %dma_wait3A_47 = tpu.memref_slice %arg9[%add3A_11, %dma_wait3A] : memref<10240x128xf32, #tpu.memory_space<vmem_shared>> -> memref<128x128xf32, #tpu.memory_space<vmem_shared>>
      %dma_wait3A_48 = arith.constant 0 : i32
      %dma_wait3A_49 = tpu.memref_slice %arg9[%add3A_11, %dma_wait3A_48] : memref<10240x128xf32, #tpu.memory_space<vmem_shared>> -> memref<128x128xf32, #tpu.memory_space<vmem_shared>>
      tpu.wait_dma2 semaphore(%run_scoped3A : memref<!tpu.dma_semaphore, #tpu.memory_space<semaphore_mem>>) src(%arg8 : memref<128x128xf32, #tpu.memory_space<vmem>>) dst(%dma_wait3A_49 : memref<128x128xf32, #tpu.memory_space<vmem_shared>>)
      tpu.yield
    }) : () -> ()
    %mul3A_12 = arith.constant 640 : i32
    %mul3A_13 = arith.muli %arg1, %mul3A_12 : i32
    %add3A_14 = arith.constant 128 : i32
    %add3A_15 = arith.addi %mul3A_13, %add3A_14 : i32
    "tpu.region"() ({
      %run_scoped3A = tpu.sem_alloc : memref<!tpu.dma_semaphore, #tpu.memory_space<semaphore_mem>>
      %dma_start3A = arith.constant 0 : i32
      %dma_start3A_44 = tpu.memref_slice %arg9[%add3A_15, %dma_start3A] : memref<10240x128xf32, #tpu.memory_space<vmem_shared>> -> memref<128x128xf32, #tpu.memory_space<vmem_shared>>
      %dma_start3A_45 = arith.constant 0 : i32
      %dma_start3A_46 = tpu.memref_slice %arg9[%add3A_15, %dma_start3A_45] : memref<10240x128xf32, #tpu.memory_space<vmem_shared>> -> memref<128x128xf32, #tpu.memory_space<vmem_shared>>
      tpu.enqueue_dma source(%arg8 : memref<128x128xf32, #tpu.memory_space<vmem>>) target(%dma_start3A_46 : memref<128x128xf32, #tpu.memory_space<vmem_shared>>) target_semaphore(%run_scoped3A : memref<!tpu.dma_semaphore, #tpu.memory_space<semaphore_mem>>)
      %dma_wait3A = arith.constant 0 : i32
      %dma_wait3A_47 = tpu.memref_slice %arg9[%add3A_15, %dma_wait3A] : memref<10240x128xf32, #tpu.memory_space<vmem_shared>> -> memref<128x128xf32, #tpu.memory_space<vmem_shared>>
      %dma_wait3A_48 = arith.constant 0 : i32
      %dma_wait3A_49 = tpu.memref_slice %arg9[%add3A_15, %dma_wait3A_48] : memref<10240x128xf32, #tpu.memory_space<vmem_shared>> -> memref<128x128xf32, #tpu.memory_space<vmem_shared>>
      tpu.wait_dma2 semaphore(%run_scoped3A : memref<!tpu.dma_semaphore, #tpu.memory_space<semaphore_mem>>) src(%arg8 : memref<128x128xf32, #tpu.memory_space<vmem>>) dst(%dma_wait3A_49 : memref<128x128xf32, #tpu.memory_space<vmem_shared>>)
      tpu.yield
    }) : () -> ()
    %mul3A_16 = arith.constant 640 : i32
    %mul3A_17 = arith.muli %arg1, %mul3A_16 : i32
    %add3A_18 = arith.constant 256 : i32
    %add3A_19 = arith.addi %mul3A_17, %add3A_18 : i32
    "tpu.region"() ({
      %run_scoped3A = tpu.sem_alloc : memref<!tpu.dma_semaphore, #tpu.memory_space<semaphore_mem>>
      %dma_start3A = arith.constant 0 : i32
      %dma_start3A_44 = tpu.memref_slice %arg9[%add3A_19, %dma_start3A] : memref<10240x128xf32, #tpu.memory_space<vmem_shared>> -> memref<128x128xf32, #tpu.memory_space<vmem_shared>>
      %dma_start3A_45 = arith.constant 0 : i32
      %dma_start3A_46 = tpu.memref_slice %arg9[%add3A_19, %dma_start3A_45] : memref<10240x128xf32, #tpu.memory_space<vmem_shared>> -> memref<128x128xf32, #tpu.memory_space<vmem_shared>>
      tpu.enqueue_dma source(%arg8 : memref<128x128xf32, #tpu.memory_space<vmem>>) target(%dma_start3A_46 : memref<128x128xf32, #tpu.memory_space<vmem_shared>>) target_semaphore(%run_scoped3A : memref<!tpu.dma_semaphore, #tpu.memory_space<semaphore_mem>>)
      %dma_wait3A = arith.constant 0 : i32
      %dma_wait3A_47 = tpu.memref_slice %arg9[%add3A_19, %dma_wait3A] : memref<10240x128xf32, #tpu.memory_space<vmem_shared>> -> memref<128x128xf32, #tpu.memory_space<vmem_shared>>
      %dma_wait3A_48 = arith.constant 0 : i32
      %dma_wait3A_49 = tpu.memref_slice %arg9[%add3A_19, %dma_wait3A_48] : memref<10240x128xf32, #tpu.memory_space<vmem_shared>> -> memref<128x128xf32, #tpu.memory_space<vmem_shared>>
      tpu.wait_dma2 semaphore(%run_scoped3A : memref<!tpu.dma_semaphore, #tpu.memory_space<semaphore_mem>>) src(%arg8 : memref<128x128xf32, #tpu.memory_space<vmem>>) dst(%dma_wait3A_49 : memref<128x128xf32, #tpu.memory_space<vmem_shared>>)
      tpu.yield
    }) : () -> ()
    %mul3A_20 = arith.constant 640 : i32
    %mul3A_21 = arith.muli %arg1, %mul3A_20 : i32
    %add3A_22 = arith.constant 384 : i32
    %add3A_23 = arith.addi %mul3A_21, %add3A_22 : i32
    "tpu.region"() ({
      %run_scoped3A = tpu.sem_alloc : memref<!tpu.dma_semaphore, #tpu.memory_space<semaphore_mem>>
      %dma_start3A = arith.constant 0 : i32
      %dma_start3A_44 = tpu.memref_slice %arg9[%add3A_23, %dma_start3A] : memref<10240x128xf32, #tpu.memory_space<vmem_shared>> -> memref<128x128xf32, #tpu.memory_space<vmem_shared>>
      %dma_start3A_45 = arith.constant 0 : i32
      %dma_start3A_46 = tpu.memref_slice %arg9[%add3A_23, %dma_start3A_45] : memref<10240x128xf32, #tpu.memory_space<vmem_shared>> -> memref<128x128xf32, #tpu.memory_space<vmem_shared>>
      tpu.enqueue_dma source(%arg8 : memref<128x128xf32, #tpu.memory_space<vmem>>) target(%dma_start3A_46 : memref<128x128xf32, #tpu.memory_space<vmem_shared>>) target_semaphore(%run_scoped3A : memref<!tpu.dma_semaphore, #tpu.memory_space<semaphore_mem>>)
      %dma_wait3A = arith.constant 0 : i32
      %dma_wait3A_47 = tpu.memref_slice %arg9[%add3A_23, %dma_wait3A] : memref<10240x128xf32, #tpu.memory_space<vmem_shared>> -> memref<128x128xf32, #tpu.memory_space<vmem_shared>>
      %dma_wait3A_48 = arith.constant 0 : i32
      %dma_wait3A_49 = tpu.memref_slice %arg9[%add3A_23, %dma_wait3A_48] : memref<10240x128xf32, #tpu.memory_space<vmem_shared>> -> memref<128x128xf32, #tpu.memory_space<vmem_shared>>
      tpu.wait_dma2 semaphore(%run_scoped3A : memref<!tpu.dma_semaphore, #tpu.memory_space<semaphore_mem>>) src(%arg8 : memref<128x128xf32, #tpu.memory_space<vmem>>) dst(%dma_wait3A_49 : memref<128x128xf32, #tpu.memory_space<vmem_shared>>)
      tpu.yield
    }) : () -> ()
    %mul3A_24 = arith.constant 640 : i32
    %mul3A_25 = arith.muli %arg1, %mul3A_24 : i32
    %add3A_26 = arith.constant 512 : i32
    %add3A_27 = arith.addi %mul3A_25, %add3A_26 : i32
    "tpu.region"() ({
      %run_scoped3A = tpu.sem_alloc : memref<!tpu.dma_semaphore, #tpu.memory_space<semaphore_mem>>
      %dma_start3A = arith.constant 0 : i32
      %dma_start3A_44 = tpu.memref_slice %arg9[%add3A_27, %dma_start3A] : memref<10240x128xf32, #tpu.memory_space<vmem_shared>> -> memref<128x128xf32, #tpu.memory_space<vmem_shared>>
      %dma_start3A_45 = arith.constant 0 : i32
      %dma_start3A_46 = tpu.memref_slice %arg9[%add3A_27, %dma_start3A_45] : memref<10240x128xf32, #tpu.memory_space<vmem_shared>> -> memref<128x128xf32, #tpu.memory_space<vmem_shared>>
      tpu.enqueue_dma source(%arg8 : memref<128x128xf32, #tpu.memory_space<vmem>>) target(%dma_start3A_46 : memref<128x128xf32, #tpu.memory_space<vmem_shared>>) target_semaphore(%run_scoped3A : memref<!tpu.dma_semaphore, #tpu.memory_space<semaphore_mem>>)
      %dma_wait3A = arith.constant 0 : i32
      %dma_wait3A_47 = tpu.memref_slice %arg9[%add3A_27, %dma_wait3A] : memref<10240x128xf32, #tpu.memory_space<vmem_shared>> -> memref<128x128xf32, #tpu.memory_space<vmem_shared>>
      %dma_wait3A_48 = arith.constant 0 : i32
      %dma_wait3A_49 = tpu.memref_slice %arg9[%add3A_27, %dma_wait3A_48] : memref<10240x128xf32, #tpu.memory_space<vmem_shared>> -> memref<128x128xf32, #tpu.memory_space<vmem_shared>>
      tpu.wait_dma2 semaphore(%run_scoped3A : memref<!tpu.dma_semaphore, #tpu.memory_space<semaphore_mem>>) src(%arg8 : memref<128x128xf32, #tpu.memory_space<vmem>>) dst(%dma_wait3A_49 : memref<128x128xf32, #tpu.memory_space<vmem_shared>>)
      tpu.yield
    }) : () -> ()
    %barrier3A = arith.constant 0 : index
    tpu.barrier barrier_id(%barrier3A)
    %mul3A_28 = arith.constant 79 : i32
    %mul3A_29 = arith.muli %add3A, %mul3A_28 : i32
    %mul3A_30 = arith.constant 128 : i32
    %mul3A_31 = arith.muli %mul3A_29, %mul3A_30 : i32
    %scan3A_32 = arith.constant 0 : i32
    %scan3A_33 = arith.constant 0 : i32
    %scan3A_34 = arith.constant 79 : i32
    %scan3A_35 = arith.addi %scan3A_33, %scan3A_34 : i32
    %scan3A_36 = arith.constant 1 : i32
    %scan3A_37 = scf.for %scan3A_44 = %scan3A_33 to %scan3A_35 step %scan3A_36 iter_args(%scan3A_45 = %scan3A_32) -> (i32)  : i32 {
      %mul3A_46 = arith.constant 128 : i32
      %mul3A_47 = arith.muli %scan3A_44, %mul3A_46 : i32
      %add3A_48 = arith.addi %mul3A_31, %mul3A_47 : i32
      "tpu.region"() ({
        %run_scoped3A = tpu.sem_alloc : memref<!tpu.dma_semaphore, #tpu.memory_space<semaphore_mem>>
        %dma_start3A_54 = tpu.memref_slice %arg3[%add3A_48] : memref<323584xi32, #tpu.memory_space<hbm>> -> memref<128xi32, #tpu.memory_space<hbm>>
        %dma_start3A_55 = tpu.memref_slice %arg3[%add3A_48] : memref<323584xi32, #tpu.memory_space<hbm>> -> memref<128xi32, #tpu.memory_space<hbm>>
        tpu.enqueue_dma source(%dma_start3A_55 : memref<128xi32, #tpu.memory_space<hbm>>) target(%arg6 : memref<128xi32, #tpu.memory_space<vmem>>) target_semaphore(%run_scoped3A : memref<!tpu.dma_semaphore, #tpu.memory_space<semaphore_mem>>)
        %dma_wait3A_56 = tpu.memref_slice %arg3[%add3A_48] : memref<323584xi32, #tpu.memory_space<hbm>> -> memref<128xi32, #tpu.memory_space<hbm>>
        %dma_wait3A_57 = tpu.memref_slice %arg3[%add3A_48] : memref<323584xi32, #tpu.memory_space<hbm>> -> memref<128xi32, #tpu.memory_space<hbm>>
        tpu.wait_dma2 semaphore(%run_scoped3A : memref<!tpu.dma_semaphore, #tpu.memory_space<semaphore_mem>>) src(%dma_wait3A_57 : memref<128xi32, #tpu.memory_space<hbm>>) dst(%arg6 : memref<128xi32, #tpu.memory_space<vmem>>)
        tpu.yield
      }) : () -> ()
      "tpu.region"() ({
        %run_scoped3A = tpu.sem_alloc : memref<!tpu.dma_semaphore, #tpu.memory_space<semaphore_mem>>
        %dma_start3A_54 = tpu.memref_slice %arg4[%add3A_48] : memref<323584xi32, #tpu.memory_space<hbm>> -> memref<128xi32, #tpu.memory_space<hbm>>
        %dma_start3A_55 = tpu.memref_slice %arg4[%add3A_48] : memref<323584xi32, #tpu.memory_space<hbm>> -> memref<128xi32, #tpu.memory_space<hbm>>
        tpu.enqueue_dma source(%dma_start3A_55 : memref<128xi32, #tpu.memory_space<hbm>>) target(%arg7 : memref<128xi32, #tpu.memory_space<vmem>>) target_semaphore(%run_scoped3A : memref<!tpu.dma_semaphore, #tpu.memory_space<semaphore_mem>>)
        %dma_wait3A_56 = tpu.memref_slice %arg4[%add3A_48] : memref<323584xi32, #tpu.memory_space<hbm>> -> memref<128xi32, #tpu.memory_space<hbm>>
        %dma_wait3A_57 = tpu.memref_slice %arg4[%add3A_48] : memref<323584xi32, #tpu.memory_space<hbm>> -> memref<128xi32, #tpu.memory_space<hbm>>
        tpu.wait_dma2 semaphore(%run_scoped3A : memref<!tpu.dma_semaphore, #tpu.memory_space<semaphore_mem>>) src(%dma_wait3A_57 : memref<128xi32, #tpu.memory_space<hbm>>) dst(%arg7 : memref<128xi32, #tpu.memory_space<vmem>>)
        tpu.yield
      }) : () -> ()
      %dma_start3A = arith.constant 0 : i32
      %dma_start3A_49 = arith.constant 0 : i32
      %dma_start3A_50 = tpu.memref_slice %arg2[%dma_start3A, %dma_start3A_49] : memref<10000x128xf32, #tpu.memory_space<hbm>> -> memref<10000x128xf32, #tpu.memory_space<hbm>>
      tpu.enqueue_indirect_dma source(%dma_start3A_50 : memref<10000x128xf32, #tpu.memory_space<hbm>>) target(%arg8 : memref<128x128xf32, #tpu.memory_space<vmem>>) offsets(%arg6 : memref<128xi32, #tpu.memory_space<vmem>>) semaphore(%arg10 : memref<!tpu.dma_semaphore, #tpu.memory_space<semaphore_mem>>)
      %dma_wait3A = arith.constant 0 : i32
      %dma_wait3A_51 = arith.constant 0 : i32
      %dma_wait3A_52 = tpu.memref_slice %arg2[%dma_wait3A, %dma_wait3A_51] : memref<10000x128xf32, #tpu.memory_space<hbm>> -> memref<10000x128xf32, #tpu.memory_space<hbm>>
      tpu.wait_indirect_dma semaphore(%arg10 : memref<!tpu.dma_semaphore, #tpu.memory_space<semaphore_mem>>) src(%dma_wait3A_52 : memref<10000x128xf32, #tpu.memory_space<hbm>>) dst(%arg8 : memref<128x128xf32, #tpu.memory_space<vmem>>)
      "tpu.region"() ({
        %run_scoped3A = tpu.sem_alloc : memref<!tpu.dma_semaphore, #tpu.memory_space<semaphore_mem>>
        %dma_start3A_54 = arith.constant 0 : i32
        %dma_start3A_55 = arith.constant 0 : i32
        %dma_start3A_56 = tpu.memref_slice %arg9[%dma_start3A_54, %dma_start3A_55] : memref<10240x128xf32, #tpu.memory_space<vmem_shared>> -> memref<10240x128xf32, #tpu.memory_space<vmem_shared>>
        tpu.enqueue_indirect_dma source(%arg8 : memref<128x128xf32, #tpu.memory_space<vmem>>) target(%dma_start3A_56 : memref<10240x128xf32, #tpu.memory_space<vmem_shared>>) offsets(%arg7 : memref<128xi32, #tpu.memory_space<vmem>>) semaphore(%run_scoped3A : memref<!tpu.dma_semaphore, #tpu.memory_space<semaphore_mem>>) {add = true}
        %dma_wait3A_57 = arith.constant 0 : i32
        %dma_wait3A_58 = arith.constant 0 : i32
        %dma_wait3A_59 = tpu.memref_slice %arg9[%dma_wait3A_57, %dma_wait3A_58] : memref<10240x128xf32, #tpu.memory_space<vmem_shared>> -> memref<10240x128xf32, #tpu.memory_space<vmem_shared>>
        tpu.wait_indirect_dma semaphore(%run_scoped3A : memref<!tpu.dma_semaphore, #tpu.memory_space<semaphore_mem>>) src(%arg8 : memref<128x128xf32, #tpu.memory_space<vmem>>) dst(%dma_wait3A_59 : memref<10240x128xf32, #tpu.memory_space<vmem_shared>>)
        tpu.yield
      }) : () -> ()
      %scan3A_53 = arith.constant 0 : i32
      scf.yield %scan3A_53 : i32
    }
    %scan3A_38 = arith.constant 79 : i32
    %barrier3A_39 = arith.constant 0 : index
    tpu.barrier barrier_id(%barrier3A_39)
    %mul3A_40 = arith.constant 640 : i32
    %mul3A_41 = arith.muli %arg1, %mul3A_40 : i32
    %mul3A_42 = arith.constant 640 : i32
    %mul3A_43 = arith.muli %arg1, %mul3A_42 : i32
    "tpu.region"() ({
      %run_scoped3A = tpu.sem_alloc : memref<!tpu.dma_semaphore, #tpu.memory_space<semaphore_mem>>
      %dma_start3A = arith.constant 0 : i32
      %dma_start3A_44 = tpu.memref_slice %arg5[%arg0, %mul3A_43, %dma_start3A] : memref<2x10240x128xf32, #tpu.memory_space<hbm>> -> memref<1x640x128xf32, #tpu.memory_space<hbm>>
      %dma_start3A_45 = tpu.memref_squeeze %dma_start3A_44 : memref<1x640x128xf32, #tpu.memory_space<hbm>> -> memref<640x128xf32, #tpu.memory_space<hbm>>
      %dma_start3A_46 = arith.constant 0 : i32
      %dma_start3A_47 = tpu.memref_slice %arg9[%mul3A_41, %dma_start3A_46] : memref<10240x128xf32, #tpu.memory_space<vmem_shared>> -> memref<640x128xf32, #tpu.memory_space<vmem_shared>>
      tpu.enqueue_dma source(%dma_start3A_47 : memref<640x128xf32, #tpu.memory_space<vmem_shared>>) target(%dma_start3A_45 : memref<640x128xf32, #tpu.memory_space<hbm>>) target_semaphore(%run_scoped3A : memref<!tpu.dma_semaphore, #tpu.memory_space<semaphore_mem>>)
      %dma_wait3A = arith.constant 0 : i32
      %dma_wait3A_48 = tpu.memref_slice %arg5[%arg0, %mul3A_43, %dma_wait3A] : memref<2x10240x128xf32, #tpu.memory_space<hbm>> -> memref<1x640x128xf32, #tpu.memory_space<hbm>>
      %dma_wait3A_49 = tpu.memref_squeeze %dma_wait3A_48 : memref<1x640x128xf32, #tpu.memory_space<hbm>> -> memref<640x128xf32, #tpu.memory_space<hbm>>
      %dma_wait3A_50 = arith.constant 0 : i32
      %dma_wait3A_51 = tpu.memref_slice %arg9[%mul3A_41, %dma_wait3A_50] : memref<10240x128xf32, #tpu.memory_space<vmem_shared>> -> memref<640x128xf32, #tpu.memory_space<vmem_shared>>
      tpu.wait_dma2 semaphore(%run_scoped3A : memref<!tpu.dma_semaphore, #tpu.memory_space<semaphore_mem>>) src(%dma_wait3A_51 : memref<640x128xf32, #tpu.memory_space<vmem_shared>>) dst(%dma_wait3A_49 : memref<640x128xf32, #tpu.memory_space<hbm>>)
      tpu.yield
    }) : () -> ()
    return
  }
}

#map = affine_map<(d0, d1) -> (0, 0)>
#map1 = affine_map<(d0, d1) -> (0)>
#map2 = affine_map<(d0, d1) -> (0, 0, 0)>
module attributes {stable_mosaic.version = 14 : i64} {
  func.func @sc_kernel(%arg0: i32, %arg1: i32, %arg2: memref<10000x128xf32, #tpu.memory_space<hbm>>, %arg3: memref<323584xi32, #tpu.memory_space<hbm>>, %arg4: memref<323584xi32, #tpu.memory_space<hbm>>, %arg5: memref<2x10240x128xf32, #tpu.memory_space<hbm>>, %arg6: memref<128xi32, #tpu.memory_space<vmem>>, %arg7: memref<128xi32, #tpu.memory_space<vmem>>, %arg8: memref<128x128xf32, #tpu.memory_space<vmem>>, %arg9: memref<10240x128xf32, #tpu.memory_space<vmem_shared>>, %arg10: memref<!tpu.dma_semaphore, #tpu.memory_space<semaphore_mem>>) attributes {dimension_semantics = [#tpu.dimension_semantics<core_parallel>, #tpu.dimension_semantics<subcore_parallel>], iteration_bounds = array<i64: 2, 16>, scalar_prefetch = 0 : i64, scratch_operands = 5 : i64, tpu.core_type = #tpu.core_type<sc_vector_subcore>, window_params = [{transform_indices = #map}, {transform_indices = #map1}, {transform_indices = #map1}, {transform_indices = #map2}]} {
    %mul3A = arith.constant 16 : i32
    %mul3A_0 = arith.muli %arg0, %mul3A : i32
    %add3A = arith.addi %mul3A_0, %arg1 : i32
    %broadcast_in_dim3A = arith.constant 0.000000e+00 : f32
    %broadcast_in_dim3A_1 = vector.broadcast %broadcast_in_dim3A : f32 to vector<16xf32>
    %scan3A = arith.constant 0 : i32
    %scan3A_2 = arith.constant 0 : i32
    %scan3A_3 = arith.constant 128 : i32
    %scan3A_4 = arith.addi %scan3A_2, %scan3A_3 : i32
    %scan3A_5 = arith.constant 1 : i32
    %scan3A_6 = scf.for %scan3A_44 = %scan3A_2 to %scan3A_4 step %scan3A_5 iter_args(%scan3A_45 = %scan3A) -> (i32)  : i32 {
      %swap3A = arith.index_cast %scan3A_44 : i32 to index
      %swap3A_46 = arith.constant 0 : index
      %swap3A_47 = tpu.vector_load %arg8[%swap3A, %swap3A_46] {strides = array<i32>} : memref<128x128xf32, #tpu.memory_space<vmem>>, vector<1x16xf32>,
      %swap3A_48 = vector.shape_cast %swap3A_47 : vector<1x16xf32> to vector<16xf32>
      %swap3A_49 = vector.shape_cast %broadcast_in_dim3A_1 : vector<16xf32> to vector<1x16xf32>
      tpu.vector_store %arg8[%swap3A, %swap3A_46], %swap3A_49 {strides = array<i32>} : memref<128x128xf32, #tpu.memory_space<vmem>>, vector<1x16xf32>,
      %swap3A_50 = arith.index_cast %scan3A_44 : i32 to index
      %swap3A_51 = arith.constant 16 : index
      %swap3A_52 = tpu.vector_load %arg8[%swap3A_50, %swap3A_51] {strides = array<i32>} : memref<128x128xf32, #tpu.memory_space<vmem>>, vector<1x16xf32>,
      %swap3A_53 = vector.shape_cast %swap3A_52 : vector<1x16xf32> to vector<16xf32>
      %swap3A_54 = vector.shape_cast %broadcast_in_dim3A_1 : vector<16xf32> to vector<1x16xf32>
      tpu.vector_store %arg8[%swap3A_50, %swap3A_51], %swap3A_54 {strides = array<i32>} : memref<128x128xf32, #tpu.memory_space<vmem>>, vector<1x16xf32>,
      %swap3A_55 = arith.index_cast %scan3A_44 : i32 to index
      %swap3A_56 = arith.constant 32 : index
      %swap3A_57 = tpu.vector_load %arg8[%swap3A_55, %swap3A_56] {strides = array<i32>} : memref<128x128xf32, #tpu.memory_space<vmem>>, vector<1x16xf32>,
      %swap3A_58 = vector.shape_cast %swap3A_57 : vector<1x16xf32> to vector<16xf32>
      %swap3A_59 = vector.shape_cast %broadcast_in_dim3A_1 : vector<16xf32> to vector<1x16xf32>
      tpu.vector_store %arg8[%swap3A_55, %swap3A_56], %swap3A_59 {strides = array<i32>} : memref<128x128xf32, #tpu.memory_space<vmem>>, vector<1x16xf32>,
      %swap3A_60 = arith.index_cast %scan3A_44 : i32 to index
      %swap3A_61 = arith.constant 48 : index
      %swap3A_62 = tpu.vector_load %arg8[%swap3A_60, %swap3A_61] {strides = array<i32>} : memref<128x128xf32, #tpu.memory_space<vmem>>, vector<1x16xf32>,
      %swap3A_63 = vector.shape_cast %swap3A_62 : vector<1x16xf32> to vector<16xf32>
      %swap3A_64 = vector.shape_cast %broadcast_in_dim3A_1 : vector<16xf32> to vector<1x16xf32>
      tpu.vector_store %arg8[%swap3A_60, %swap3A_61], %swap3A_64 {strides = array<i32>} : memref<128x128xf32, #tpu.memory_space<vmem>>, vector<1x16xf32>,
      %swap3A_65 = arith.index_cast %scan3A_44 : i32 to index
      %swap3A_66 = arith.constant 64 : index
      %swap3A_67 = tpu.vector_load %arg8[%swap3A_65, %swap3A_66] {strides = array<i32>} : memref<128x128xf32, #tpu.memory_space<vmem>>, vector<1x16xf32>,
      %swap3A_68 = vector.shape_cast %swap3A_67 : vector<1x16xf32> to vector<16xf32>
      %swap3A_69 = vector.shape_cast %broadcast_in_dim3A_1 : vector<16xf32> to vector<1x16xf32>
      tpu.vector_store %arg8[%swap3A_65, %swap3A_66], %swap3A_69 {strides = array<i32>} : memref<128x128xf32, #tpu.memory_space<vmem>>, vector<1x16xf32>,
      %swap3A_70 = arith.index_cast %scan3A_44 : i32 to index
      %swap3A_71 = arith.constant 80 : index
      %swap3A_72 = tpu.vector_load %arg8[%swap3A_70, %swap3A_71] {strides = array<i32>} : memref<128x128xf32, #tpu.memory_space<vmem>>, vector<1x16xf32>,
      %swap3A_73 = vector.shape_cast %swap3A_72 : vector<1x16xf32> to vector<16xf32>
      %swap3A_74 = vector.shape_cast %broadcast_in_dim3A_1 : vector<16xf32> to vector<1x16xf32>
      tpu.vector_store %arg8[%swap3A_70, %swap3A_71], %swap3A_74 {strides = array<i32>} : memref<128x128xf32, #tpu.memory_space<vmem>>, vector<1x16xf32>,
      %swap3A_75 = arith.index_cast %scan3A_44 : i32 to index
      %swap3A_76 = arith.constant 96 : index
      %swap3A_77 = tpu.vector_load %arg8[%swap3A_75, %swap3A_76] {strides = array<i32>} : memref<128x128xf32, #tpu.memory_space<vmem>>, vector<1x16xf32>,
      %swap3A_78 = vector.shape_cast %swap3A_77 : vector<1x16xf32> to vector<16xf32>
      %swap3A_79 = vector.shape_cast %broadcast_in_dim3A_1 : vector<16xf32> to vector<1x16xf32>
      tpu.vector_store %arg8[%swap3A_75, %swap3A_76], %swap3A_79 {strides = array<i32>} : memref<128x128xf32, #tpu.memory_space<vmem>>, vector<1x16xf32>,
      %swap3A_80 = arith.index_cast %scan3A_44 : i32 to index
      %swap3A_81 = arith.constant 112 : index
      %swap3A_82 = tpu.vector_load %arg8[%swap3A_80, %swap3A_81] {strides = array<i32>} : memref<128x128xf32, #tpu.memory_space<vmem>>, vector<1x16xf32>,
      %swap3A_83 = vector.shape_cast %swap3A_82 : vector<1x16xf32> to vector<16xf32>
      %swap3A_84 = vector.shape_cast %broadcast_in_dim3A_1 : vector<16xf32> to vector<1x16xf32>
      tpu.vector_store %arg8[%swap3A_80, %swap3A_81], %swap3A_84 {strides = array<i32>} : memref<128x128xf32, #tpu.memory_space<vmem>>, vector<1x16xf32>,
      %scan3A_85 = arith.constant 0 : i32
      scf.yield %scan3A_85 : i32
    }
    %scan3A_7 = arith.constant 128 : i32
    %mul3A_8 = arith.constant 640 : i32
    %mul3A_9 = arith.muli %arg1, %mul3A_8 : i32
    %add3A_10 = arith.constant 0 : i32
    %add3A_11 = arith.addi %mul3A_9, %add3A_10 : i32
    "tpu.region"() ({
      %run_scoped3A = tpu.sem_alloc : memref<!tpu.dma_semaphore, #tpu.memory_space<semaphore_mem>>
      %dma_start3A = arith.constant 0 : i32
      %dma_start3A_44 = tpu.memref_slice %arg9[%add3A_11, %dma_start3A] : memref<10240x128xf32, #tpu.memory_space<vmem_shared>> -> memref<128x128xf32, #tpu.memory_space<vmem_shared>>
      %dma_start3A_45 = arith.constant 0 : i32
      %dma_start3A_46 = tpu.memref_slice %arg9[%add3A_11, %dma_start3A_45] : memref<10240x128xf32, #tpu.memory_space<vmem_shared>> -> memref<128x128xf32, #tpu.memory_space<vmem_shared>>
      tpu.enqueue_dma source(%arg8 : memref<128x128xf32, #tpu.memory_space<vmem>>) target(%dma_start3A_46 : memref<128x128xf32, #tpu.memory_space<vmem_shared>>) target_semaphore(%run_scoped3A : memref<!tpu.dma_semaphore, #tpu.memory_space<semaphore_mem>>)
      %dma_wait3A = arith.constant 0 : i32
      %dma_wait3A_47 = tpu.memref_slice %arg9[%add3A_11, %dma_wait3A] : memref<10240x128xf32, #tpu.memory_space<vmem_shared>> -> memref<128x128xf32, #tpu.memory_space<vmem_shared>>
      %dma_wait3A_48 = arith.constant 0 : i32
      %dma_wait3A_49 = tpu.memref_slice %arg9[%add3A_11, %dma_wait3A_48] : memref<10240x128xf32, #tpu.memory_space<vmem_shared>> -> memref<128x128xf32, #tpu.memory_space<vmem_shared>>
      tpu.wait_dma2 semaphore(%run_scoped3A : memref<!tpu.dma_semaphore, #tpu.memory_space<semaphore_mem>>) src(%arg8 : memref<128x128xf32, #tpu.memory_space<vmem>>) dst(%dma_wait3A_49 : memref<128x128xf32, #tpu.memory_space<vmem_shared>>)
      tpu.yield
    }) : () -> ()
    %mul3A_12 = arith.constant 640 : i32
    %mul3A_13 = arith.muli %arg1, %mul3A_12 : i32
    %add3A_14 = arith.constant 128 : i32
    %add3A_15 = arith.addi %mul3A_13, %add3A_14 : i32
    "tpu.region"() ({
      %run_scoped3A = tpu.sem_alloc : memref<!tpu.dma_semaphore, #tpu.memory_space<semaphore_mem>>
      %dma_start3A = arith.constant 0 : i32
      %dma_start3A_44 = tpu.memref_slice %arg9[%add3A_15, %dma_start3A] : memref<10240x128xf32, #tpu.memory_space<vmem_shared>> -> memref<128x128xf32, #tpu.memory_space<vmem_shared>>
      %dma_start3A_45 = arith.constant 0 : i32
      %dma_start3A_46 = tpu.memref_slice %arg9[%add3A_15, %dma_start3A_45] : memref<10240x128xf32, #tpu.memory_space<vmem_shared>> -> memref<128x128xf32, #tpu.memory_space<vmem_shared>>
      tpu.enqueue_dma source(%arg8 : memref<128x128xf32, #tpu.memory_space<vmem>>) target(%dma_start3A_46 : memref<128x128xf32, #tpu.memory_space<vmem_shared>>) target_semaphore(%run_scoped3A : memref<!tpu.dma_semaphore, #tpu.memory_space<semaphore_mem>>)
      %dma_wait3A = arith.constant 0 : i32
      %dma_wait3A_47 = tpu.memref_slice %arg9[%add3A_15, %dma_wait3A] : memref<10240x128xf32, #tpu.memory_space<vmem_shared>> -> memref<128x128xf32, #tpu.memory_space<vmem_shared>>
      %dma_wait3A_48 = arith.constant 0 : i32
      %dma_wait3A_49 = tpu.memref_slice %arg9[%add3A_15, %dma_wait3A_48] : memref<10240x128xf32, #tpu.memory_space<vmem_shared>> -> memref<128x128xf32, #tpu.memory_space<vmem_shared>>
      tpu.wait_dma2 semaphore(%run_scoped3A : memref<!tpu.dma_semaphore, #tpu.memory_space<semaphore_mem>>) src(%arg8 : memref<128x128xf32, #tpu.memory_space<vmem>>) dst(%dma_wait3A_49 : memref<128x128xf32, #tpu.memory_space<vmem_shared>>)
      tpu.yield
    }) : () -> ()
    %mul3A_16 = arith.constant 640 : i32
    %mul3A_17 = arith.muli %arg1, %mul3A_16 : i32
    %add3A_18 = arith.constant 256 : i32
    %add3A_19 = arith.addi %mul3A_17, %add3A_18 : i32
    "tpu.region"() ({
      %run_scoped3A = tpu.sem_alloc : memref<!tpu.dma_semaphore, #tpu.memory_space<semaphore_mem>>
      %dma_start3A = arith.constant 0 : i32
      %dma_start3A_44 = tpu.memref_slice %arg9[%add3A_19, %dma_start3A] : memref<10240x128xf32, #tpu.memory_space<vmem_shared>> -> memref<128x128xf32, #tpu.memory_space<vmem_shared>>
      %dma_start3A_45 = arith.constant 0 : i32
      %dma_start3A_46 = tpu.memref_slice %arg9[%add3A_19, %dma_start3A_45] : memref<10240x128xf32, #tpu.memory_space<vmem_shared>> -> memref<128x128xf32, #tpu.memory_space<vmem_shared>>
      tpu.enqueue_dma source(%arg8 : memref<128x128xf32, #tpu.memory_space<vmem>>) target(%dma_start3A_46 : memref<128x128xf32, #tpu.memory_space<vmem_shared>>) target_semaphore(%run_scoped3A : memref<!tpu.dma_semaphore, #tpu.memory_space<semaphore_mem>>)
      %dma_wait3A = arith.constant 0 : i32
      %dma_wait3A_47 = tpu.memref_slice %arg9[%add3A_19, %dma_wait3A] : memref<10240x128xf32, #tpu.memory_space<vmem_shared>> -> memref<128x128xf32, #tpu.memory_space<vmem_shared>>
      %dma_wait3A_48 = arith.constant 0 : i32
      %dma_wait3A_49 = tpu.memref_slice %arg9[%add3A_19, %dma_wait3A_48] : memref<10240x128xf32, #tpu.memory_space<vmem_shared>> -> memref<128x128xf32, #tpu.memory_space<vmem_shared>>
      tpu.wait_dma2 semaphore(%run_scoped3A : memref<!tpu.dma_semaphore, #tpu.memory_space<semaphore_mem>>) src(%arg8 : memref<128x128xf32, #tpu.memory_space<vmem>>) dst(%dma_wait3A_49 : memref<128x128xf32, #tpu.memory_space<vmem_shared>>)
      tpu.yield
    }) : () -> ()
    %mul3A_20 = arith.constant 640 : i32
    %mul3A_21 = arith.muli %arg1, %mul3A_20 : i32
    %add3A_22 = arith.constant 384 : i32
    %add3A_23 = arith.addi %mul3A_21, %add3A_22 : i32
    "tpu.region"() ({
      %run_scoped3A = tpu.sem_alloc : memref<!tpu.dma_semaphore, #tpu.memory_space<semaphore_mem>>
      %dma_start3A = arith.constant 0 : i32
      %dma_start3A_44 = tpu.memref_slice %arg9[%add3A_23, %dma_start3A] : memref<10240x128xf32, #tpu.memory_space<vmem_shared>> -> memref<128x128xf32, #tpu.memory_space<vmem_shared>>
      %dma_start3A_45 = arith.constant 0 : i32
      %dma_start3A_46 = tpu.memref_slice %arg9[%add3A_23, %dma_start3A_45] : memref<10240x128xf32, #tpu.memory_space<vmem_shared>> -> memref<128x128xf32, #tpu.memory_space<vmem_shared>>
      tpu.enqueue_dma source(%arg8 : memref<128x128xf32, #tpu.memory_space<vmem>>) target(%dma_start3A_46 : memref<128x128xf32, #tpu.memory_space<vmem_shared>>) target_semaphore(%run_scoped3A : memref<!tpu.dma_semaphore, #tpu.memory_space<semaphore_mem>>)
      %dma_wait3A = arith.constant 0 : i32
      %dma_wait3A_47 = tpu.memref_slice %arg9[%add3A_23, %dma_wait3A] : memref<10240x128xf32, #tpu.memory_space<vmem_shared>> -> memref<128x128xf32, #tpu.memory_space<vmem_shared>>
      %dma_wait3A_48 = arith.constant 0 : i32
      %dma_wait3A_49 = tpu.memref_slice %arg9[%add3A_23, %dma_wait3A_48] : memref<10240x128xf32, #tpu.memory_space<vmem_shared>> -> memref<128x128xf32, #tpu.memory_space<vmem_shared>>
      tpu.wait_dma2 semaphore(%run_scoped3A : memref<!tpu.dma_semaphore, #tpu.memory_space<semaphore_mem>>) src(%arg8 : memref<128x128xf32, #tpu.memory_space<vmem>>) dst(%dma_wait3A_49 : memref<128x128xf32, #tpu.memory_space<vmem_shared>>)
      tpu.yield
    }) : () -> ()
    %mul3A_24 = arith.constant 640 : i32
    %mul3A_25 = arith.muli %arg1, %mul3A_24 : i32
    %add3A_26 = arith.constant 512 : i32
    %add3A_27 = arith.addi %mul3A_25, %add3A_26 : i32
    "tpu.region"() ({
      %run_scoped3A = tpu.sem_alloc : memref<!tpu.dma_semaphore, #tpu.memory_space<semaphore_mem>>
      %dma_start3A = arith.constant 0 : i32
      %dma_start3A_44 = tpu.memref_slice %arg9[%add3A_27, %dma_start3A] : memref<10240x128xf32, #tpu.memory_space<vmem_shared>> -> memref<128x128xf32, #tpu.memory_space<vmem_shared>>
      %dma_start3A_45 = arith.constant 0 : i32
      %dma_start3A_46 = tpu.memref_slice %arg9[%add3A_27, %dma_start3A_45] : memref<10240x128xf32, #tpu.memory_space<vmem_shared>> -> memref<128x128xf32, #tpu.memory_space<vmem_shared>>
      tpu.enqueue_dma source(%arg8 : memref<128x128xf32, #tpu.memory_space<vmem>>) target(%dma_start3A_46 : memref<128x128xf32, #tpu.memory_space<vmem_shared>>) target_semaphore(%run_scoped3A : memref<!tpu.dma_semaphore, #tpu.memory_space<semaphore_mem>>)
      %dma_wait3A = arith.constant 0 : i32
      %dma_wait3A_47 = tpu.memref_slice %arg9[%add3A_27, %dma_wait3A] : memref<10240x128xf32, #tpu.memory_space<vmem_shared>> -> memref<128x128xf32, #tpu.memory_space<vmem_shared>>
      %dma_wait3A_48 = arith.constant 0 : i32
      %dma_wait3A_49 = tpu.memref_slice %arg9[%add3A_27, %dma_wait3A_48] : memref<10240x128xf32, #tpu.memory_space<vmem_shared>> -> memref<128x128xf32, #tpu.memory_space<vmem_shared>>
      tpu.wait_dma2 semaphore(%run_scoped3A : memref<!tpu.dma_semaphore, #tpu.memory_space<semaphore_mem>>) src(%arg8 : memref<128x128xf32, #tpu.memory_space<vmem>>) dst(%dma_wait3A_49 : memref<128x128xf32, #tpu.memory_space<vmem_shared>>)
      tpu.yield
    }) : () -> ()
    %barrier3A = arith.constant 0 : index
    tpu.barrier barrier_id(%barrier3A)
    %mul3A_28 = arith.constant 79 : i32
    %mul3A_29 = arith.muli %add3A, %mul3A_28 : i32
    %mul3A_30 = arith.constant 128 : i32
    %mul3A_31 = arith.muli %mul3A_29, %mul3A_30 : i32
    %scan3A_32 = arith.constant 0 : i32
    %scan3A_33 = arith.constant 0 : i32
    %scan3A_34 = arith.constant 79 : i32
    %scan3A_35 = arith.addi %scan3A_33, %scan3A_34 : i32
    %scan3A_36 = arith.constant 1 : i32
    %scan3A_37 = scf.for %scan3A_44 = %scan3A_33 to %scan3A_35 step %scan3A_36 iter_args(%scan3A_45 = %scan3A_32) -> (i32)  : i32 {
      %mul3A_46 = arith.constant 128 : i32
      %mul3A_47 = arith.muli %scan3A_44, %mul3A_46 : i32
      %add3A_48 = arith.addi %mul3A_31, %mul3A_47 : i32
      "tpu.region"() ({
        %run_scoped3A = tpu.sem_alloc : memref<!tpu.dma_semaphore, #tpu.memory_space<semaphore_mem>>
        %dma_start3A_54 = tpu.memref_slice %arg3[%add3A_48] : memref<323584xi32, #tpu.memory_space<hbm>> -> memref<128xi32, #tpu.memory_space<hbm>>
        %dma_start3A_55 = tpu.memref_slice %arg3[%add3A_48] : memref<323584xi32, #tpu.memory_space<hbm>> -> memref<128xi32, #tpu.memory_space<hbm>>
        tpu.enqueue_dma source(%dma_start3A_55 : memref<128xi32, #tpu.memory_space<hbm>>) target(%arg6 : memref<128xi32, #tpu.memory_space<vmem>>) target_semaphore(%run_scoped3A : memref<!tpu.dma_semaphore, #tpu.memory_space<semaphore_mem>>)
        %dma_wait3A_56 = tpu.memref_slice %arg3[%add3A_48] : memref<323584xi32, #tpu.memory_space<hbm>> -> memref<128xi32, #tpu.memory_space<hbm>>
        %dma_wait3A_57 = tpu.memref_slice %arg3[%add3A_48] : memref<323584xi32, #tpu.memory_space<hbm>> -> memref<128xi32, #tpu.memory_space<hbm>>
        tpu.wait_dma2 semaphore(%run_scoped3A : memref<!tpu.dma_semaphore, #tpu.memory_space<semaphore_mem>>) src(%dma_wait3A_57 : memref<128xi32, #tpu.memory_space<hbm>>) dst(%arg6 : memref<128xi32, #tpu.memory_space<vmem>>)
        tpu.yield
      }) : () -> ()
      "tpu.region"() ({
        %run_scoped3A = tpu.sem_alloc : memref<!tpu.dma_semaphore, #tpu.memory_space<semaphore_mem>>
        %dma_start3A_54 = tpu.memref_slice %arg4[%add3A_48] : memref<323584xi32, #tpu.memory_space<hbm>> -> memref<128xi32, #tpu.memory_space<hbm>>
        %dma_start3A_55 = tpu.memref_slice %arg4[%add3A_48] : memref<323584xi32, #tpu.memory_space<hbm>> -> memref<128xi32, #tpu.memory_space<hbm>>
        tpu.enqueue_dma source(%dma_start3A_55 : memref<128xi32, #tpu.memory_space<hbm>>) target(%arg7 : memref<128xi32, #tpu.memory_space<vmem>>) target_semaphore(%run_scoped3A : memref<!tpu.dma_semaphore, #tpu.memory_space<semaphore_mem>>)
        %dma_wait3A_56 = tpu.memref_slice %arg4[%add3A_48] : memref<323584xi32, #tpu.memory_space<hbm>> -> memref<128xi32, #tpu.memory_space<hbm>>
        %dma_wait3A_57 = tpu.memref_slice %arg4[%add3A_48] : memref<323584xi32, #tpu.memory_space<hbm>> -> memref<128xi32, #tpu.memory_space<hbm>>
        tpu.wait_dma2 semaphore(%run_scoped3A : memref<!tpu.dma_semaphore, #tpu.memory_space<semaphore_mem>>) src(%dma_wait3A_57 : memref<128xi32, #tpu.memory_space<hbm>>) dst(%arg7 : memref<128xi32, #tpu.memory_space<vmem>>)
        tpu.yield
      }) : () -> ()
      %dma_start3A = arith.constant 0 : i32
      %dma_start3A_49 = arith.constant 0 : i32
      %dma_start3A_50 = tpu.memref_slice %arg2[%dma_start3A, %dma_start3A_49] : memref<10000x128xf32, #tpu.memory_space<hbm>> -> memref<10000x128xf32, #tpu.memory_space<hbm>>
      tpu.enqueue_indirect_dma source(%dma_start3A_50 : memref<10000x128xf32, #tpu.memory_space<hbm>>) target(%arg8 : memref<128x128xf32, #tpu.memory_space<vmem>>) offsets(%arg6 : memref<128xi32, #tpu.memory_space<vmem>>) semaphore(%arg10 : memref<!tpu.dma_semaphore, #tpu.memory_space<semaphore_mem>>)
      %dma_wait3A = arith.constant 0 : i32
      %dma_wait3A_51 = arith.constant 0 : i32
      %dma_wait3A_52 = tpu.memref_slice %arg2[%dma_wait3A, %dma_wait3A_51] : memref<10000x128xf32, #tpu.memory_space<hbm>> -> memref<10000x128xf32, #tpu.memory_space<hbm>>
      tpu.wait_indirect_dma semaphore(%arg10 : memref<!tpu.dma_semaphore, #tpu.memory_space<semaphore_mem>>) src(%dma_wait3A_52 : memref<10000x128xf32, #tpu.memory_space<hbm>>) dst(%arg8 : memref<128x128xf32, #tpu.memory_space<vmem>>)
      "tpu.region"() ({
        %run_scoped3A = tpu.sem_alloc : memref<!tpu.dma_semaphore, #tpu.memory_space<semaphore_mem>>
        %dma_start3A_54 = arith.constant 0 : i32
        %dma_start3A_55 = arith.constant 0 : i32
        %dma_start3A_56 = tpu.memref_slice %arg9[%dma_start3A_54, %dma_start3A_55] : memref<10240x128xf32, #tpu.memory_space<vmem_shared>> -> memref<10240x128xf32, #tpu.memory_space<vmem_shared>>
        tpu.enqueue_indirect_dma source(%arg8 : memref<128x128xf32, #tpu.memory_space<vmem>>) target(%dma_start3A_56 : memref<10240x128xf32, #tpu.memory_space<vmem_shared>>) offsets(%arg7 : memref<128xi32, #tpu.memory_space<vmem>>) semaphore(%run_scoped3A : memref<!tpu.dma_semaphore, #tpu.memory_space<semaphore_mem>>) {add = true}
        %dma_wait3A_57 = arith.constant 0 : i32
        %dma_wait3A_58 = arith.constant 0 : i32
        %dma_wait3A_59 = tpu.memref_slice %arg9[%dma_wait3A_57, %dma_wait3A_58] : memref<10240x128xf32, #tpu.memory_space<vmem_shared>> -> memref<10240x128xf32, #tpu.memory_space<vmem_shared>>
        tpu.wait_indirect_dma semaphore(%run_scoped3A : memref<!tpu.dma_semaphore, #tpu.memory_space<semaphore_mem>>) src(%arg8 : memref<128x128xf32, #tpu.memory_space<vmem>>) dst(%dma_wait3A_59 : memref<10240x128xf32, #tpu.memory_space<vmem_shared>>)
        tpu.yield
      }) : () -> ()
      %scan3A_53 = arith.constant 0 : i32
      scf.yield %scan3A_53 : i32
    }
    %scan3A_38 = arith.constant 79 : i32
    %barrier3A_39 = arith.constant 0 : index
    tpu.barrier barrier_id(%barrier3A_39)
    %mul3A_40 = arith.constant 640 : i32
    %mul3A_41 = arith.muli %arg1, %mul3A_40 : i32
    %mul3A_42 = arith.constant 640 : i32
    %mul3A_43 = arith.muli %arg1, %mul3A_42 : i32
    "tpu.region"() ({
      %run_scoped3A = tpu.sem_alloc : memref<!tpu.dma_semaphore, #tpu.memory_space<semaphore_mem>>
      %dma_start3A = arith.constant 0 : i32
      %dma_start3A_44 = tpu.memref_slice %arg5[%arg0, %mul3A_43, %dma_start3A] : memref<2x10240x128xf32, #tpu.memory_space<hbm>> -> memref<1x640x128xf32, #tpu.memory_space<hbm>>
      %dma_start3A_45 = tpu.memref_squeeze %dma_start3A_44 : memref<1x640x128xf32, #tpu.memory_space<hbm>> -> memref<640x128xf32, #tpu.memory_space<hbm>>
      %dma_start3A_46 = arith.constant 0 : i32
      %dma_start3A_47 = tpu.memref_slice %arg9[%mul3A_41, %dma_start3A_46] : memref<10240x128xf32, #tpu.memory_space<vmem_shared>> -> memref<640x128xf32, #tpu.memory_space<vmem_shared>>
      tpu.enqueue_dma source(%dma_start3A_47 : memref<640x128xf32, #tpu.memory_space<vmem_shared>>) target(%dma_start3A_45 : memref<640x128xf32, #tpu.memory_space<hbm>>) target_semaphore(%run_scoped3A : memref<!tpu.dma_semaphore, #tpu.memory_space<semaphore_mem>>)
      %dma_wait3A = arith.constant 0 : i32
      %dma_wait3A_48 = tpu.memref_slice %arg5[%arg0, %mul3A_43, %dma_wait3A] : memref<2x10240x128xf32, #tpu.memory_space<hbm>> -> memref<1x640x128xf32, #tpu.memory_space<hbm>>
      %dma_wait3A_49 = tpu.memref_squeeze %dma_wait3A_48 : memref<1x640x128xf32, #tpu.memory_space<hbm>> -> memref<640x128xf32, #tpu.memory_space<hbm>>
      %dma_wait3A_50 = arith.constant 0 : i32
      %dma_wait3A_51 = tpu.memref_slice %arg9[%mul3A_41, %dma_wait3A_50] : memref<10240x128xf32, #tpu.memory_space<vmem_shared>> -> memref<640x128xf32, #tpu.memory_space<vmem_shared>>
      tpu.wait_dma2 semaphore(%run_scoped3A : memref<!tpu.dma_semaphore, #tpu.memory_space<semaphore_mem>>) src(%dma_wait3A_51 : memref<640x128xf32, #tpu.memory_space<vmem_shared>>) dst(%dma_wait3A_49 : memref<640x128xf32, #tpu.memory_space<hbm>>)
      tpu.yield
    }) : () -> ()
    return
  }
}

module attributes {stable_mosaic.version = 14 : i64} {
  func.func @_tc_pre_body(%arg0: i32, %arg1: memref<2000x128xf32, #tpu.memory_space<vmem>>, %arg2: memref<128x128xf32, #tpu.memory_space<vmem>>, %arg3: memref<128x128xf32, #tpu.memory_space<vmem>>, %arg4: memref<128x128xf32, #tpu.memory_space<vmem>>, %arg5: memref<1x128xf32, #tpu.memory_space<vmem>>, %arg6: memref<1x128xf32, #tpu.memory_space<vmem>>, %arg7: memref<2000x128xf32, #tpu.memory_space<vmem>>, %arg8: memref<2000x128xf32, #tpu.memory_space<vmem>>) attributes {dimension_semantics = [#tpu.dimension_semantics<arbitrary>], iteration_bounds = array<i64: 5>, scalar_prefetch = 0 : i64, scratch_operands = 0 : i64, tpu.core_type = #tpu.core_type<tc>, window_params = [{transform_indices = @transform_0, window_bounds = array<i64: 2000, 128>}, {pipeline_mode = #tpu.pipeline_mode<synchronous>, transform_indices = @transform_1, window_bounds = array<i64: 128, 128>}, {pipeline_mode = #tpu.pipeline_mode<synchronous>, transform_indices = @transform_2, window_bounds = array<i64: 128, 128>}, {pipeline_mode = #tpu.pipeline_mode<synchronous>, transform_indices = @transform_3, window_bounds = array<i64: 128, 128>}, {pipeline_mode = #tpu.pipeline_mode<synchronous>, transform_indices = @transform_4, window_bounds = array<i64: 1, 128>}, {pipeline_mode = #tpu.pipeline_mode<synchronous>, transform_indices = @transform_5, window_bounds = array<i64: 1, 128>}, {transform_indices = @transform_6, window_bounds = array<i64: 2000, 128>}, {transform_indices = @transform_7, window_bounds = array<i64: 2000, 128>}]} {
    %get3A = arith.constant 0 : index
    %get3A_0 = arith.constant 0 : index
    %get3A_1 = vector.load %arg1[%get3A, %get3A_0] : memref<2000x128xf32, #tpu.memory_space<vmem>>, vector<2000x128xf32>
    %get3A_2 = arith.constant 0 : index
    %get3A_3 = arith.constant 0 : index
    %get3A_4 = vector.load %arg2[%get3A_2, %get3A_3] : memref<128x128xf32, #tpu.memory_space<vmem>>, vector<128x128xf32>
    %dot_general3A = arith.constant dense<0.000000e+00> : vector<2000x128xf32>
    %dot_general3A_5 = tpu.matmul %get3A_1, %get3A_4, %dot_general3A {dimension_numbers = #tpu.dot_dimension_numbers<[1], [1], [0], [0], [0, 0, 1, 0], [], []>, transpose_lhs_hint = false} : vector<2000x128xf32>, vector<128x128xf32>, vector<2000x128xf32> -> vector<2000x128xf32>
    %swap3A = arith.constant 0 : index
    %swap3A_6 = arith.constant 0 : index
    %swap3A_7 = vector.load %arg7[%swap3A, %swap3A_6] : memref<2000x128xf32, #tpu.memory_space<vmem>>, vector<2000x128xf32>
    tpu.vector_store %arg7[%swap3A, %swap3A_6], %dot_general3A_5 {strides = array<i32>} : memref<2000x128xf32, #tpu.memory_space<vmem>>, vector<2000x128xf32>,
    %get3A_8 = arith.constant 0 : index
    %get3A_9 = arith.constant 0 : index
    %get3A_10 = vector.load %arg3[%get3A_8, %get3A_9] : memref<128x128xf32, #tpu.memory_space<vmem>>, vector<128x128xf32>
    %get3A_11 = arith.constant 0 : index
    %get3A_12 = arith.constant 0 : index
    %get3A_13 = vector.load %arg4[%get3A_11, %get3A_12] : memref<128x128xf32, #tpu.memory_space<vmem>>, vector<128x128xf32>
    %add3A = arith.addf %get3A_10, %get3A_13 : vector<128x128xf32>
    %dot_general3A_14 = arith.constant dense<0.000000e+00> : vector<2000x128xf32>
    %dot_general3A_15 = tpu.matmul %get3A_1, %add3A, %dot_general3A_14 {dimension_numbers = #tpu.dot_dimension_numbers<[1], [1], [0], [0], [0, 0, 1, 0], [], []>, transpose_lhs_hint = false} : vector<2000x128xf32>, vector<128x128xf32>, vector<2000x128xf32> -> vector<2000x128xf32>
    %get3A_16 = arith.constant 0 : index
    %get3A_17 = arith.constant 0 : index
    %get3A_18 = vector.load %arg5[%get3A_16, %get3A_17] : memref<1x128xf32, #tpu.memory_space<vmem>>, vector<1x128xf32>
    %add3A_19 = vector.broadcast %get3A_18 : vector<1x128xf32> to vector<2000x128xf32>
    %add3A_20 = arith.addf %dot_general3A_15, %add3A_19 : vector<2000x128xf32>
    %get3A_21 = arith.constant 0 : index
    %get3A_22 = arith.constant 0 : index
    %get3A_23 = vector.load %arg6[%get3A_21, %get3A_22] : memref<1x128xf32, #tpu.memory_space<vmem>>, vector<1x128xf32>
    %add3A_24 = vector.broadcast %get3A_23 : vector<1x128xf32> to vector<2000x128xf32>
    %add3A_25 = arith.addf %add3A_20, %add3A_24 : vector<2000x128xf32>
    %swap3A_26 = arith.constant 0 : index
    %swap3A_27 = arith.constant 0 : index
    %swap3A_28 = vector.load %arg8[%swap3A_26, %swap3A_27] : memref<2000x128xf32, #tpu.memory_space<vmem>>, vector<2000x128xf32>
    tpu.vector_store %arg8[%swap3A_26, %swap3A_27], %add3A_25 {strides = array<i32>} : memref<2000x128xf32, #tpu.memory_space<vmem>>, vector<2000x128xf32>,
    return
  }
  func.func @transform_0(%arg0: i32) -> (i32, i32) {
    %c0_i32 = arith.constant 0 : i32
    %c0_i32_0 = arith.constant 0 : i32
    return %arg0, %c0_i32 : i32, i32
  }
  func.func @transform_1(%arg0: i32) -> (i32, i32) {
    %c0_i32 = arith.constant 0 : i32
    %c0_i32_0 = arith.constant 0 : i32
    %c0_i32_1 = arith.constant 0 : i32
    return %c0_i32, %c0_i32_0 : i32, i32
  }
  func.func @transform_2(%arg0: i32) -> (i32, i32) {
    %c0_i32 = arith.constant 0 : i32
    %c0_i32_0 = arith.constant 0 : i32
    %c0_i32_1 = arith.constant 0 : i32
    return %c0_i32, %c0_i32_0 : i32, i32
  }
  func.func @transform_3(%arg0: i32) -> (i32, i32) {
    %c0_i32 = arith.constant 0 : i32
    %c0_i32_0 = arith.constant 0 : i32
    %c0_i32_1 = arith.constant 0 : i32
    return %c0_i32, %c0_i32_0 : i32, i32
  }
  func.func @transform_4(%arg0: i32) -> (i32, i32) {
    %c0_i32 = arith.constant 0 : i32
    %c0_i32_0 = arith.constant 0 : i32
    %c0_i32_1 = arith.constant 0 : i32
    return %c0_i32, %c0_i32_0 : i32, i32
  }
  func.func @transform_5(%arg0: i32) -> (i32, i32) {
    %c0_i32 = arith.constant 0 : i32
    %c0_i32_0 = arith.constant 0 : i32
    %c0_i32_1 = arith.constant 0 : i32
    return %c0_i32, %c0_i32_0 : i32, i32
  }
  func.func @transform_6(%arg0: i32) -> (i32, i32) {
    %c0_i32 = arith.constant 0 : i32
    %c0_i32_0 = arith.constant 0 : i32
    return %arg0, %c0_i32 : i32, i32
  }
  func.func @transform_7(%arg0: i32) -> (i32, i32) {
    %c0_i32 = arith.constant 0 : i32
    %c0_i32_0 = arith.constant 0 : i32
    return %arg0, %c0_i32 : i32, i32
  }
}

module attributes {stable_mosaic.version = 14 : i64} {
  func.func @_tc_mid_body(%arg0: i32, %arg1: memref<2x2000x128xf32, #tpu.memory_space<vmem>>, %arg2: memref<2000x128xf32, #tpu.memory_space<vmem>>, %arg3: memref<128x128xf32, #tpu.memory_space<vmem>>, %arg4: memref<128x128xf32, #tpu.memory_space<vmem>>, %arg5: memref<128x128xf32, #tpu.memory_space<vmem>>, %arg6: memref<1x128xf32, #tpu.memory_space<vmem>>, %arg7: memref<1x128xf32, #tpu.memory_space<vmem>>, %arg8: memref<2000x128xf32, #tpu.memory_space<vmem>>, %arg9: memref<2000x128xf32, #tpu.memory_space<vmem>>) attributes {dimension_semantics = [#tpu.dimension_semantics<arbitrary>], iteration_bounds = array<i64: 5>, scalar_prefetch = 0 : i64, scratch_operands = 0 : i64, tpu.core_type = #tpu.core_type<tc>, window_params = [{transform_indices = @transform_0, window_bounds = array<i64: 2, 2000, 128>}, {transform_indices = @transform_1, window_bounds = array<i64: 2000, 128>}, {pipeline_mode = #tpu.pipeline_mode<synchronous>, transform_indices = @transform_2, window_bounds = array<i64: 128, 128>}, {pipeline_mode = #tpu.pipeline_mode<synchronous>, transform_indices = @transform_3, window_bounds = array<i64: 128, 128>}, {pipeline_mode = #tpu.pipeline_mode<synchronous>, transform_indices = @transform_4, window_bounds = array<i64: 128, 128>}, {pipeline_mode = #tpu.pipeline_mode<synchronous>, transform_indices = @transform_5, window_bounds = array<i64: 1, 128>}, {pipeline_mode = #tpu.pipeline_mode<synchronous>, transform_indices = @transform_6, window_bounds = array<i64: 1, 128>}, {transform_indices = @transform_7, window_bounds = array<i64: 2000, 128>}, {transform_indices = @transform_8, window_bounds = array<i64: 2000, 128>}]} {
    %get3A = arith.constant 0 : index
    %get3A_0 = arith.constant 0 : index
    %get3A_1 = arith.constant 0 : index
    %get3A_2 = vector.load %arg1[%get3A, %get3A_0, %get3A_1] : memref<2x2000x128xf32, #tpu.memory_space<vmem>>, vector<1x2000x128xf32>
    %get3A_3 = vector.shape_cast %get3A_2 : vector<1x2000x128xf32> to vector<2000x128xf32>
    %get3A_4 = arith.constant 1 : index
    %get3A_5 = arith.constant 0 : index
    %get3A_6 = arith.constant 0 : index
    %get3A_7 = vector.load %arg1[%get3A_4, %get3A_5, %get3A_6] : memref<2x2000x128xf32, #tpu.memory_space<vmem>>, vector<1x2000x128xf32>
    %get3A_8 = vector.shape_cast %get3A_7 : vector<1x2000x128xf32> to vector<2000x128xf32>
    %add3A = arith.addf %get3A_3, %get3A_8 : vector<2000x128xf32>
    %get3A_9 = arith.constant 0 : index
    %get3A_10 = arith.constant 0 : index
    %get3A_11 = vector.load %arg2[%get3A_9, %get3A_10] : memref<2000x128xf32, #tpu.memory_space<vmem>>, vector<2000x128xf32>
    %add3A_12 = arith.addf %add3A, %get3A_11 : vector<2000x128xf32>
    %max3A = arith.constant 0.000000e+00 : f32
    %max3A_13 = vector.broadcast %max3A : f32 to vector<2000x128xf32>
    %max3A_14 = arith.maximumf %add3A_12, %max3A_13 : vector<2000x128xf32>
    %get3A_15 = arith.constant 0 : index
    %get3A_16 = arith.constant 0 : index
    %get3A_17 = vector.load %arg3[%get3A_15, %get3A_16] : memref<128x128xf32, #tpu.memory_space<vmem>>, vector<128x128xf32>
    %dot_general3A = arith.constant dense<0.000000e+00> : vector<2000x128xf32>
    %dot_general3A_18 = tpu.matmul %max3A_14, %get3A_17, %dot_general3A {dimension_numbers = #tpu.dot_dimension_numbers<[1], [1], [0], [0], [0, 0, 1, 0], [], []>, transpose_lhs_hint = false} : vector<2000x128xf32>, vector<128x128xf32>, vector<2000x128xf32> -> vector<2000x128xf32>
    %swap3A = arith.constant 0 : index
    %swap3A_19 = arith.constant 0 : index
    %swap3A_20 = vector.load %arg8[%swap3A, %swap3A_19] : memref<2000x128xf32, #tpu.memory_space<vmem>>, vector<2000x128xf32>
    tpu.vector_store %arg8[%swap3A, %swap3A_19], %dot_general3A_18 {strides = array<i32>} : memref<2000x128xf32, #tpu.memory_space<vmem>>, vector<2000x128xf32>,
    %get3A_21 = arith.constant 0 : index
    %get3A_22 = arith.constant 0 : index
    %get3A_23 = vector.load %arg4[%get3A_21, %get3A_22] : memref<128x128xf32, #tpu.memory_space<vmem>>, vector<128x128xf32>
    %get3A_24 = arith.constant 0 : index
    %get3A_25 = arith.constant 0 : index
    %get3A_26 = vector.load %arg5[%get3A_24, %get3A_25] : memref<128x128xf32, #tpu.memory_space<vmem>>, vector<128x128xf32>
    %add3A_27 = arith.addf %get3A_23, %get3A_26 : vector<128x128xf32>
    %dot_general3A_28 = arith.constant dense<0.000000e+00> : vector<2000x128xf32>
    %dot_general3A_29 = tpu.matmul %max3A_14, %add3A_27, %dot_general3A_28 {dimension_numbers = #tpu.dot_dimension_numbers<[1], [1], [0], [0], [0, 0, 1, 0], [], []>, transpose_lhs_hint = false} : vector<2000x128xf32>, vector<128x128xf32>, vector<2000x128xf32> -> vector<2000x128xf32>
    %get3A_30 = arith.constant 0 : index
    %get3A_31 = arith.constant 0 : index
    %get3A_32 = vector.load %arg6[%get3A_30, %get3A_31] : memref<1x128xf32, #tpu.memory_space<vmem>>, vector<1x128xf32>
    %add3A_33 = vector.broadcast %get3A_32 : vector<1x128xf32> to vector<2000x128xf32>
    %add3A_34 = arith.addf %dot_general3A_29, %add3A_33 : vector<2000x128xf32>
    %get3A_35 = arith.constant 0 : index
    %get3A_36 = arith.constant 0 : index
    %get3A_37 = vector.load %arg7[%get3A_35, %get3A_36] : memref<1x128xf32, #tpu.memory_space<vmem>>, vector<1x128xf32>
    %add3A_38 = vector.broadcast %get3A_37 : vector<1x128xf32> to vector<2000x128xf32>
    %add3A_39 = arith.addf %add3A_34, %add3A_38 : vector<2000x128xf32>
    %swap3A_40 = arith.constant 0 : index
    %swap3A_41 = arith.constant 0 : index
    %swap3A_42 = vector.load %arg9[%swap3A_40, %swap3A_41] : memref<2000x128xf32, #tpu.memory_space<vmem>>, vector<2000x128xf32>
    tpu.vector_store %arg9[%swap3A_40, %swap3A_41], %add3A_39 {strides = array<i32>} : memref<2000x128xf32, #tpu.memory_space<vmem>>, vector<2000x128xf32>,
    return
  }
  func.func @transform_0(%arg0: i32) -> (i32, i32, i32) {
    %c0_i32 = arith.constant 0 : i32
    %c0_i32_0 = arith.constant 0 : i32
    %c0_i32_1 = arith.constant 0 : i32
    return %c0_i32, %arg0, %c0_i32_0 : i32, i32, i32
  }
  func.func @transform_1(%arg0: i32) -> (i32, i32) {
    %c0_i32 = arith.constant 0 : i32
    %c0_i32_0 = arith.constant 0 : i32
    return %arg0, %c0_i32 : i32, i32
  }
  func.func @transform_2(%arg0: i32) -> (i32, i32) {
    %c0_i32 = arith.constant 0 : i32
    %c0_i32_0 = arith.constant 0 : i32
    %c0_i32_1 = arith.constant 0 : i32
    return %c0_i32, %c0_i32_0 : i32, i32
  }
  func.func @transform_3(%arg0: i32) -> (i32, i32) {
    %c0_i32 = arith.constant 0 : i32
    %c0_i32_0 = arith.constant 0 : i32
    %c0_i32_1 = arith.constant 0 : i32
    return %c0_i32, %c0_i32_0 : i32, i32
  }
  func.func @transform_4(%arg0: i32) -> (i32, i32) {
    %c0_i32 = arith.constant 0 : i32
    %c0_i32_0 = arith.constant 0 : i32
    %c0_i32_1 = arith.constant 0 : i32
    return %c0_i32, %c0_i32_0 : i32, i32
  }
  func.func @transform_5(%arg0: i32) -> (i32, i32) {
    %c0_i32 = arith.constant 0 : i32
    %c0_i32_0 = arith.constant 0 : i32
    %c0_i32_1 = arith.constant 0 : i32
    return %c0_i32, %c0_i32_0 : i32, i32
  }
  func.func @transform_6(%arg0: i32) -> (i32, i32) {
    %c0_i32 = arith.constant 0 : i32
    %c0_i32_0 = arith.constant 0 : i32
    %c0_i32_1 = arith.constant 0 : i32
    return %c0_i32, %c0_i32_0 : i32, i32
  }
  func.func @transform_7(%arg0: i32) -> (i32, i32) {
    %c0_i32 = arith.constant 0 : i32
    %c0_i32_0 = arith.constant 0 : i32
    return %arg0, %c0_i32 : i32, i32
  }
  func.func @transform_8(%arg0: i32) -> (i32, i32) {
    %c0_i32 = arith.constant 0 : i32
    %c0_i32_0 = arith.constant 0 : i32
    return %arg0, %c0_i32 : i32, i32
  }
}

module attributes {stable_mosaic.version = 14 : i64} {
  func.func @_tc_final_body(%arg0: i32, %arg1: memref<2x2000x128xf32, #tpu.memory_space<vmem>>, %arg2: memref<2000x128xf32, #tpu.memory_space<vmem>>, %arg3: memref<2000x128xf32, #tpu.memory_space<vmem>>) attributes {dimension_semantics = [#tpu.dimension_semantics<arbitrary>], iteration_bounds = array<i64: 5>, scalar_prefetch = 0 : i64, scratch_operands = 0 : i64, tpu.core_type = #tpu.core_type<tc>, window_params = [{transform_indices = @transform_0, window_bounds = array<i64: 2, 2000, 128>}, {transform_indices = @transform_1, window_bounds = array<i64: 2000, 128>}, {transform_indices = @transform_2, window_bounds = array<i64: 2000, 128>}]} {
    %get3A = arith.constant 0 : index
    %get3A_0 = arith.constant 0 : index
    %get3A_1 = arith.constant 0 : index
    %get3A_2 = vector.load %arg1[%get3A, %get3A_0, %get3A_1] : memref<2x2000x128xf32, #tpu.memory_space<vmem>>, vector<1x2000x128xf32>
    %get3A_3 = vector.shape_cast %get3A_2 : vector<1x2000x128xf32> to vector<2000x128xf32>
    %get3A_4 = arith.constant 1 : index
    %get3A_5 = arith.constant 0 : index
    %get3A_6 = arith.constant 0 : index
    %get3A_7 = vector.load %arg1[%get3A_4, %get3A_5, %get3A_6] : memref<2x2000x128xf32, #tpu.memory_space<vmem>>, vector<1x2000x128xf32>
    %get3A_8 = vector.shape_cast %get3A_7 : vector<1x2000x128xf32> to vector<2000x128xf32>
    %add3A = arith.addf %get3A_3, %get3A_8 : vector<2000x128xf32>
    %get3A_9 = arith.constant 0 : index
    %get3A_10 = arith.constant 0 : index
    %get3A_11 = vector.load %arg2[%get3A_9, %get3A_10] : memref<2000x128xf32, #tpu.memory_space<vmem>>, vector<2000x128xf32>
    %add3A_12 = arith.addf %add3A, %get3A_11 : vector<2000x128xf32>
    %swap3A = arith.constant 0 : index
    %swap3A_13 = arith.constant 0 : index
    %swap3A_14 = vector.load %arg3[%swap3A, %swap3A_13] : memref<2000x128xf32, #tpu.memory_space<vmem>>, vector<2000x128xf32>
    tpu.vector_store %arg3[%swap3A, %swap3A_13], %add3A_12 {strides = array<i32>} : memref<2000x128xf32, #tpu.memory_space<vmem>>, vector<2000x128xf32>,
    return
  }
  func.func @transform_0(%arg0: i32) -> (i32, i32, i32) {
    %c0_i32 = arith.constant 0 : i32
    %c0_i32_0 = arith.constant 0 : i32
    %c0_i32_1 = arith.constant 0 : i32
    return %c0_i32, %arg0, %c0_i32_0 : i32, i32, i32
  }
  func.func @transform_1(%arg0: i32) -> (i32, i32) {
    %c0_i32 = arith.constant 0 : i32
    %c0_i32_0 = arith.constant 0 : i32
    return %arg0, %c0_i32 : i32, i32
  }
  func.func @transform_2(%arg0: i32) -> (i32, i32) {
    %c0_i32 = arith.constant 0 : i32
    %c0_i32_0 = arith.constant 0 : i32
    return %arg0, %c0_i32 : i32, i32
  }
}

</mosaic_0001>

<sc_bundles>
// kernel: kernel.12.cloned.1.call-start
scs
__scs_entry_jumppad:
0x0: {  	(pc) =	sbr.rel $0x88, $3  }
0x1: {  	(tag) =	ssettag $0x0;
	lr =	simm.s32 $0x1  }
0x2: {  	[smem:$0x3F90] =	sst lr;
	_ =	strace $0xD0000000  }
0x3: {  	_ = 	snop  }
0x4: {  	_ = 	snop  }
0x5: {  	_ = 	snop  }
0x6: {  	_ = 	snop  }
0x7: {  	_ = 	snop  }
__scs_overlays_trampoline_lowered:
0x8: {  	[smem:$0x3F9F] =	sst s0  }
0x9: {  	[smem:$0x3FA0] =	sst s1  }
0xa: {  	[smem:$0x3FA1] =	sst s2  }
0xb: {  	[smem:$0x3FA2] =	sst s3  }
0xc: {  	[smem:$0x3FA3] =	sst s4  }
0xd: {  	[smem:$0x3FA4] =	sst s5  }
0xe: {  	[smem:$0x3FA5] =	sst s6  }
0xf: {  	[smem:$0x3FA6] =	sst s7  }
0x10: {  	[smem:$0x3FA7] =	sst s8  }
0x11: {  	[smem:$0x3FA8] =	sst s9;
	s0 =	simm.s32 @!p0 $0x0  }
0x12: {  	s1 =	sld [smem:$0x3F8E];
	s0 =	simm.s32 @p0 $0x1  }
0x13: {  	[smem:$0x3FA9] =	sst s0;
	s0 =	simm.s32 @!p1 $0x0  }
0x14: {  	s2 =	sld [smem:$0x3F8D];
	s0 =	simm.s32 @p1 $0x1  }
0x15: {  	[smem:$0x3FAA] =	sst s0;
	s0 =	simm.s32 @!p2 $0x0  }
0x16: {  	s3 =	sld [smem:$0x3FDB];
	s0 =	simm.s32 @p2 $0x1  }
0x17: {  	s4 =	simm.s32 $0x1BF5;
	[smem:$0x3FAC] =	sst s0  }
0x18: {  	s0 =	sld [smem:$0x3F8F];
	_ =	swait.ge [sflag:s4], $0x0  }
0x19: {  	s7 =	sld [smem:$0x3F90]  }
0x1a: {  	s8 =	sadd.s32 $0xFFFFE003, lr  }
0x1b: {  	s9 =	sadd.s32 $0xFFFFFEF7, lr;
	s5 =	simm.s32 $0xFFFFFFFF;
	p2 =	slt.u32 s8, $0xFFFFF086  }
0x1c: {  	p1 =	slt.u32 s9, $0xF7A;
	s5 =	simm.s32 @!p2 $0x0  }
0x1d: {  	s5 =	simm.s32 @p1 $0x1;
	p0 =	seq.s32 s7, s2  }
0x1e: {  	s7 =	smul.u32 @!p0 $0xF7A, s2;
	p2 =	seq.s32 @!p0 s5, $0x0  }
0x1f: {  	s9 =	smul.u32 $0xF7A, s1;
	s8 =	simm.s32 @!p0 $0x1BF5;
	p2 =	por !p2, p0  }
0x20: {  	[sflag:s8] =	ssyncset.s32 @!p0 $0xFFFFF086;
	s6 =	sadd.s32 @!p0 s3, s7;
	s7 =	simm.s32 @!p0 $0x108  }
0x21: {  	s3 =	sadd.s32 s3, s9;
	s6 =	sadd.s32 @!p0 $0x88, s6;
	s7 =	simm.s32 @p2 $0x1082  }
0x22: {  	[simem:s7], [sflag:s8] =	dma.local @!p0 [hbm:s6], $0xF7A  }
0x23: {  	s9 =	sor.u32 $0xD0000000, s2;
	s6 =	simm.s32 $0x108;
	_ =	swait.ge @!p0 [sflag:s8], $0x0  }
0x24: {  	s3 =	sadd.s32 $0x88, s3;
	s6 =	simm.s32 @!p1 $0x1082;
	[sflag:s4] =	ssyncset.s32 $0xFFFFF086  }
0x25: {  	[simem:s6], [sflag:s4] =	dma.local [hbm:s3], $0xF7A  }
0x26: {  	[smem:$0x3F90] =	sst s1;
	(tag) =	ssettag s2;
	_ =	strace s9  }
0x27: {  	s1 =	sld [smem:$0x3FA0]  }
0x28: {  	s2 =	sld [smem:$0x3FA1]  }
0x29: {  	s4 =	sld [smem:$0x3FA3]  }
0x2a: {  	p0 =	seq.s32 s5, $0x0;
	s5 =	sld [smem:$0x3FA4]  }
0x2b: {  	s6 =	sld [smem:$0x3FA5]  }
0x2c: {  	s7 =	sld [smem:$0x3FA6]  }
0x2d: {  	s3 =	simm.s32 $0x108;
	s8 =	sld [smem:$0x3FA7]  }
0x2e: {  	s3 =	simm.s32 @!p0 $0x1082;
	s9 =	sld [smem:$0x3FA8]  }
0x2f: {  	lr =	sadd.s32 s0, s3;
	s0 =	sld [smem:$0x3F9F]  }
0x30: {  	s3 =	sld [smem:$0x3FA2]  }
0x31: {  	[smem:$0x3FAB] =	sst s10  }
0x32: {  	s10 =	sld [smem:$0x3FA9];
	_ =	sdelay $0x3  }
0x33: {  	p0 =	seq.s32 s10, $0x1;
	s10 =	sld [smem:$0x3FAB];
	_ =	sdelay $0x3  }
0x34: {  	[smem:$0x3FAB] =	sst s10  }
0x35: {  	s10 =	sld [smem:$0x3FAA];
	_ =	sdelay $0x3  }
0x36: {  	p1 =	seq.s32 s10, $0x1;
	s10 =	sld [smem:$0x3FAB];
	_ =	sdelay $0x3  }
0x37: {  	[smem:$0x3FAB] =	sst s10  }
0x38: {  	s10 =	sld [smem:$0x3FAC]  }
0x39: {  	_ = 	snop;
	(pc) =	sbr.ind lr, $3  }
0x3a: {  	_ = 	snop  }
0x3b: {  	_ = 	snop  }
0x3c: {  	p2 =	seq.s32 s10, $0x1;
	s10 =	sld [smem:$0x3FAB]  }
0x3d: {  	_ =	shalt  }
0x3e: {  	_ =	shalt  }
0x3f: {  	_ =	shalt  }
0x40: {  	_ =	shalt  }
0x41: {  	_ =	shalt  }
0x42: {  	_ =	shalt  }
0x43: {  	_ =	shalt  }
0x44: {  	_ =	shalt  }
0x45: {  	_ =	shalt  }
0x46: {  	_ =	shalt  }
0x47: {  	_ =	shalt  }
0x48: {  	_ =	shalt  }
0x49: {  	_ =	shalt  }
0x4a: {  	_ =	shalt  }
0x4b: {  	_ =	shalt  }
0x4c: {  	_ =	shalt  }
0x4d: {  	_ =	shalt  }
0x4e: {  	_ =	shalt  }
0x4f: {  	_ =	shalt  }
0x50: {  	_ =	shalt  }
0x51: {  	_ =	shalt  }
0x52: {  	_ =	shalt  }
0x53: {  	_ =	shalt  }
0x54: {  	_ =	shalt  }
0x55: {  	_ =	shalt  }
0x56: {  	_ =	shalt  }
0x57: {  	_ =	shalt  }
0x58: {  	_ =	shalt  }
0x59: {  	_ =	shalt  }
0x5a: {  	_ =	shalt  }
0x5b: {  	_ =	shalt  }
0x5c: {  	_ =	shalt  }
0x5d: {  	_ =	shalt  }
0x5e: {  	_ =	shalt  }
0x5f: {  	_ =	shalt  }
0x60: {  	_ =	shalt  }
0x61: {  	_ =	shalt  }
0x62: {  	_ =	shalt  }
0x63: {  	_ =	shalt  }
0x64: {  	_ =	shalt  }
0x65: {  	_ =	shalt  }
0x66: {  	_ =	shalt  }
0x67: {  	_ =	shalt  }
0x68: {  	_ =	shalt  }
0x69: {  	_ =	shalt  }
0x6a: {  	_ =	shalt  }
0x6b: {  	_ =	shalt  }
0x6c: {  	_ =	shalt  }
0x6d: {  	_ =	shalt  }
0x6e: {  	_ =	shalt  }
0x6f: {  	_ =	shalt  }
0x70: {  	_ =	shalt  }
0x71: {  	_ =	shalt  }
0x72: {  	_ =	shalt  }
0x73: {  	_ =	shalt  }
0x74: {  	_ =	shalt  }
0x75: {  	_ =	shalt  }
0x76: {  	_ =	shalt  }
0x77: {  	_ =	shalt  }
0x78: {  	_ =	shalt  }
0x79: {  	_ =	shalt  }
0x7a: {  	_ =	shalt  }
0x7b: {  	_ =	shalt  }
0x7c: {  	_ =	shalt  }
0x7d: {  	_ =	shalt  }
0x7e: {  	_ =	shalt  }
0x7f: {  	_ =	shalt  }
0x80: {  	_ =	shalt  }
0x81: {  	_ =	shalt  }
0x82: {  	_ =	shalt  }
0x83: {  	_ =	shalt  }
0x84: {  	_ =	shalt  }
0x85: {  	_ =	shalt  }
0x86: {  	_ =	shalt  }
0x87: {  	_ =	shalt  }
.Lfunc_end0:
.L_simem_size_0:
called_computation.1_lowered:
.L_overlay_start_0:
0x88: {  	s2 =	sld [smem:$0x3FD9]  }
0x89: {  	s3 =	sld [smem:$0x3FFE];
	_ =	sdelay $0x1  }
0x8a: {  	s1 =	srdreg.scid  }
0x8b: {  	s0 =	sand.u32 $0x1, s1  }
0x8c: {  	s17 =	sshll.u32 s0, $0xA;
	s2 =	sadd.s32 s3, s2  }
0x8d: {  	s2 =	sadd.s32 s2, s17  }
0x8e: {  	[smem:$0x3FB7] =	sst s2  }
0x8f: {  	_ = 	snop  }
0x90: {  	s2 =	sld [smem:$0x3FD0];
	(tm) =	ssettm $0x1  }
0x91: {  	s18 =	sld [smem:$0x3FFB];
	_ =	sdelay $0x3  }
0x92: {  	_ =	strace s18  }
0x93: {  	s3 =	sld [smem:$0x3FFC];
	_ =	sdelay $0x3  }
0x94: {  	_ =	strace s3  }
0x95: {  	s3 =	sld [smem:$0x3FFD];
	_ =	sdelay $0x3  }
0x96: {  	_ =	strace s3  }
0x97: {  	_ =	strace $0x8FFFFFFF  }
0x98: {  	s19 =	sld [smem:$0x3FDB];
	_ =	sdelay $0x1  }
0x99: {  	s4 =	simm.s32 $_scs_section_size  }
0x9a: {  	s5 =	simm.s32 $_size__tile_overlayer_lowered;
	s6 =	simm.s32 $_tile_overlayer_lowered  }
0x9b: {  	s22 =	simm.s32 $0x1BFF;
	s21 =	sshll.u32 s6, $0x1;
	s3 =	sadd.s32 s4, s19  }
0x9c: {  	s7 =	simm.s32 $0x0;
	s20 =	sshll.u32 s5, $0x1;
	s5 =	sadd.s32 s21, s3  }
0x9d: {  	[timem:s7], [sflag:s22] =	dma.local [hbm:s5], s20  }
0x9e: {  	_ =	swait.ge [sflag:s22], s20  }
0x9f: {  	s4 =	ssub.s32 $0x0, s20;
	[sflag:s22] =	ssyncset.done $0x0  }
0xa0: {  	[sflag:s22] =	ssyncadd.s32 s4;
	_ =	sdelay $0x1  }
0xa1: {  	s23 =	simm.s32 $0x1B8B  }
0xa2: {  	_ =	swait.ge [sflag:s23], $0x1  }
0xa3: {  	[sflag:s23] =	ssyncset.done $0x0  }
0xa4: {  	s25 =	simm.s32 $0x1B8E;
	s24 =	sld [smem:$0x3FFE];
	[sflag:s23] =	ssyncadd.s32 $0xFFFFFFFF  }
0xa5: {  	s26 =	simm.s32 $execute0_lowered;
	[smem:$0x3FD2] =	sst s25  }
0xa6: {  	s5 =	sshll.u32 s26, $0x1;
	_ =	strace $0x80000049;
	[dreg:$0x1] =	wrdreg $0xFFFFFFFF  }
0xa7: {  	s28 =	simm.s32 $_size_execute0_lowered;
	s3 =	sadd.s32 s3, s5;
	[dreg:$0x0] =	wrdreg $0x0  }
0xa8: {  	s5 =	sshll.u32 s28, $0x1;
	[dreg:$0x2] =	wrdreg s3  }
0xa9: {  	[dreg:$0x3] =	wrdreg s5  }
0xaa: {  	[dreg:$0x4] =	wrdreg $0xC0  }
0xab: {  	_ =	task [dreg:s7], $0x5FFFF  }
0xac: {  	[dreg:$0x1] =	wrdreg $0xFFFFFFFF  }
0xad: {  	[dreg:$0x0] =	wrdreg $0x60  }
0xae: {  	[dreg:$0x2] =	wrdreg s2  }
0xaf: {  	[dreg:$0x3] =	wrdreg s24  }
0xb0: {  	[dreg:$0x4] =	wrdreg $0x41000  }
0xb1: {  	[dreg:$0x5] =	wrdreg $0x9  }
0xb2: {  	_ =	task.clear_ibuf [dreg:s7], $0x6FFFF;
	_ =	strace $0x90000049  }
0xb3: {  	s29 =	simm.s32 $0x9;
	_ =	strace $0x8000004B  }
0xb4: {  	_ =	swait.ge [sflag:s29], $0x1  }
0xb5: {  	[sflag:s29] =	ssyncadd.s32 $0xFFFFFFFF  }
0xb6: {  	_ =	strace $0x9000004B  }
0xb7: {  	_ =	sfence  }
0xb8: {  	s30 =	sld [smem:$0x0];
	_ =	sdelay $0x2  }
0xb9: {  	s31 =	sshll.u32 s1, $0xD;
	s1 =	sshrl.u32 s1, $0x2  }
0xba: {  	s3 =	sand.u32 $0x4000, s31;
	s1 =	sadd.s32 s1, s30  }
0xbb: {  	s0 =	sor.u32 s3, s0;
	s1 =	sshll.u32 s1, $0x11  }
0xbc: {  	s0 =	sor.u32 s1, s0  }
0xbd: {  	s0 =	sadd.s32 $0x8F2B, s0  }
0xbe: {  	[sflag:s0] =	ssyncadd.remote.s32 $0x1  }
0xbf: {  	_ =	sfence.sel $0xFFFF  }
0xc0: {  	[dreg:$0x0] =	wrdreg $0xFFFFFFFF;
	(pc) =	sbr.abs _section_cstart, $3  }
0xc1: {  	[dreg:$0x1] =	wrdreg $0xFFFFFFFF  }
0xc2: {  	_ =	task.clear_ibuf [dreg:s7], $0x2FFFF;
	_ =	strace $0x9FFFFFFF  }
0xc3: {  	(tm) =	ssettm $0x7FFFFFFF  }
tec
execute0_lowered:
.L_overlay_start_1:
0x0: {  	(tag) =	ssettag $0x1  }
0x1: {  	s1 =	rddreg [dreg:$0x0]  }
0x2: {  	s5 =	rddreg [dreg:$0x1]  }
0x3: {  	s0 =	srdreg.scid;
	s3 =	rddreg [dreg:$0x2]  }
0x4: {  	s2 =	rddreg [dreg:$0x3];
	s6 =	sand.u32 $0x1, s0  }
0x5: {  	s0 =	stileid.u32;
	s7 =	smul.u32 $0x140000, s6  }
0x6: {  	s4 =	simm.s32 $0x0;
	s15 =	simm.s32 $0x2;
	s8 =	smul.u32 $0x14000, s0  }
0x7: {  	s16 =	simm.s32 $0x80;
	s17 =	simm.s32 $0x1;
	s9 =	smul.u32 $0x4F00, s6  }
0x8: {  	s20 =	simm.s32 $0x0;
	[smem:$0x7FF] =	sst s4;
	s29 =	smul.u32 $0x50000, s0  }
0x9: {  	_ =	strace $0x8000004A;
	s6 =	ssub.s32 $0x2, s6;
	s18 =	sshll.u32 s0, $0x6  }
0xa: {  	s12 =	smul.u32 $0x4F0, s0;
	s31 =	sshrl.u32 s6, $0x1;
	s18 =	sor.u32 $0x1C02, s18  }
0xb: {  	s7 =	sadd.s32 s8, s7;
	s10 =	sadd.s32 s9, s5;
	s30 =	sshrl.u32 s29, $0x2  }
0xc: {  	s13 =	ssub.s32 s6, s31;
	s7 =	sshrl.u32 s7, $0x3;
	s14 =	sadd.s32 s12, s10  }
0xd: {  	s11 =	sadd.s32 s7, s5;
	s5 =	sadd.s32 s30, s3;
	s12 =	sadd.s32 $0x3200, s14  }
0xe: {  	s6 =	sadd.s32 $0x4000, s5;
	s7 =	sadd.s32 $0x8000, s5;
	s8 =	sadd.s32 $0xC000, s5  }
0xf: {  	s9 =	sadd.s32 $0x10000, s5;
	s10 =	sadd.s32 $0x16E00, s11;
	s11 =	smax.u32 s13, $0x1  }
0x10: {  	v0 =	vimm.f32 $0.0e+00;
	s13 =	sadd.s32 $0xD000, s14;
	s14 =	simm.s32 $0x100;
	s19 =	sshrl.u32 s5, $0x3  }
.LBB2_1:
0x11: {  	s21 =	simm.s32 $0x0;
	s22 =	simm.s32 $0x200  }
.LBB2_2:
0x12: {  	p0 =	sne.s32 s22, $0xFE00;
	[tilespmem:s21+$0x170] =	vst v0  }
0x13: {  	[tilespmem:s21+$0x100] =	vst v0  }
0x14: {  	[tilespmem:s21+$0x110] =	vst v0  }
.Ltmp0:
0x15: {  	[tilespmem:s21+$0x120] =	vst v0;
	(pc) =	sbr.rel @p0 .LBB2_2-.Ltmp0, $4  }
0x16: {  	[tilespmem:s21+$0x130] =	vst v0  }
0x17: {  	[tilespmem:s21+$0x140] =	vst v0  }
0x18: {  	[tilespmem:s21+$0x150] =	vst v0  }
0x19: {  	[tilespmem:s21+$0x160] =	vst v0;
	s21 =	sshra.s32 s22, $0x2;
	s22 =	sadd.s32 $0x200, s22  }
0x1a: {  	[tilespmem:s21+$0x170] =	vst v0  }
0x1b: {  	[tilespmem:s21+$0x100] =	vst v0  }
0x1c: {  	[tilespmem:s21+$0x110] =	vst v0  }
0x1d: {  	[tilespmem:s21+$0x120] =	vst v0  }
0x1e: {  	[tilespmem:s21+$0x130] =	vst v0  }
0x1f: {  	[tilespmem:s21+$0x140] =	vst v0  }
0x20: {  	[tilespmem:s21+$0x150] =	vst v0  }
0x21: {  	[tilespmem:s21+$0x160] =	vst v0  }
0x22: {  	[spmem:s5] =	stream.linear.scatter [tilespmem:s14], [sflag:$0x2], $0x4000, $0x38;
	[tilespmem:$0x18100] =	vst v63  }
0x23: {  	_ =	swait.ge [sflag:s15], $0x4000  }
0x24: {  	[sflag:s15] =	ssyncset.done $0x0  }
0x25: {  	[sflag:s15] =	ssyncadd.s32 $0xFFFFC000  }
0x26: {  	[spmem:s6] =	stream.linear.scatter [tilespmem:s14], [sflag:$0x2], $0x4000, $0x38;
	[tilespmem:$0x18100] =	vst v63  }
0x27: {  	_ =	swait.ge [sflag:s15], $0x4000  }
0x28: {  	[sflag:s15] =	ssyncset.done $0x0  }
0x29: {  	[sflag:s15] =	ssyncadd.s32 $0xFFFFC000  }
0x2a: {  	[spmem:s7] =	stream.linear.scatter [tilespmem:s14], [sflag:$0x2], $0x4000, $0x38;
	[tilespmem:$0x18100] =	vst v63  }
0x2b: {  	_ =	swait.ge [sflag:s15], $0x4000  }
0x2c: {  	[sflag:s15] =	ssyncset.done $0x0  }
0x2d: {  	[sflag:s15] =	ssyncadd.s32 $0xFFFFC000  }
0x2e: {  	[spmem:s8] =	stream.linear.scatter [tilespmem:s14], [sflag:$0x2], $0x4000, $0x38;
	[tilespmem:$0x18100] =	vst v63  }
0x2f: {  	_ =	swait.ge [sflag:s15], $0x4000  }
0x30: {  	[sflag:s15] =	ssyncset.done $0x0  }
0x31: {  	[sflag:s15] =	ssyncadd.s32 $0xFFFFC000  }
0x32: {  	[spmem:s9] =	stream.linear.scatter [tilespmem:s14], [sflag:$0x2], $0x4000, $0x38;
	[tilespmem:$0x18100] =	vst v63  }
0x33: {  	_ =	swait.ge [sflag:s15], $0x4000  }
0x34: {  	[sflag:s15] =	ssyncset.done $0x0  }
0x35: {  	[sflag:s15] =	ssyncadd.s32 $0xFFFFC000  }
0x36: {  	s30 =	sadd.s32 $0x0, s13;
	[bflag:$0x0] =	sbarrier.arrive $0xFFFF  }
0x37: {  	[tilespmem:s4], [sflag:$0x2] =	stream.linear.gather [hbm4b:s30+s4], $0x80, $0x38;
	[tilespmem:$0x18100] =	vst v63  }
0x38: {  	_ =	swait.ge [sflag:s15], $0x80  }
0x39: {  	[sflag:s15] =	ssyncset.done $0x0  }
0x3a: {  	s31 =	sadd.s32 $0x0, s12;
	[sflag:s15] =	ssyncadd.s32 $0xFFFFFF80  }
0x3b: {  	[tilespmem:s16], [sflag:$0x2] =	stream.linear.gather [hbm4b:s31+s4], $0x80, $0x38;
	[tilespmem:$0x18100] =	vst v63  }
0x3c: {  	_ =	swait.ge [sflag:s15], $0x80  }
0x3d: {  	[sflag:s15] =	ssyncset.done $0x0  }
0x3e: {  	[sflag:s15] =	ssyncadd.s32 $0xFFFFFF80  }
0x3f: {  	[tilespmem:s14], [sflag:$0x1] =	stream.indirect.gather [hbm4b:s1+s16], $0x80, s4, s16, $0xb8;
	[tilespmem:$0x18100] =	vst v63  }
0x40: {  	_ =	swait.ge [sflag:s17], $0x4000  }
0x41: {  	[sflag:s17] =	ssyncset.done $0x0  }
0x42: {  	[sflag:s17] =	ssyncadd.s32 $0xFFFFC000  }
0x43: {  	[spmem:s3] =	stream.indirect.scatter.add.f32 [tilespmem:s14], [sflag:$0x2], $0x80, s16, s16, $0xb8;
	[tilespmem:$0x18100] =	vst v63  }
0x44: {  	_ =	swait.ge [sflag:s15], $0x4000  }
0x45: {  	s21 =	simm.s32 $0x10;
	s22 =	simm.s32 $0x20;
	[sflag:s15] =	ssyncset.done $0x0  }
.LBB2_4:
0x46: {  	s23 =	sadd.s32 s21, s13  }
0x47: {  	[sflag:s15] =	ssyncadd.s32 $0xFFFFC000;
	s24 =	smov.u32 s22;
	s25 =	sadd.s32 $0x10, s22  }
0x48: {  	[tilespmem:s4], [sflag:$0x2] =	stream.linear.gather [hbm4b:s23+s4], $0x80, $0x38;
	[tilespmem:$0x18100] =	vst v63  }
0x49: {  	p0 =	sne.s32 s22, $0x4E0;
	_ =	swait.ge [sflag:s15], $0x80  }
0x4a: {  	[sflag:s15] =	ssyncset.done $0x0  }
0x4b: {  	s22 =	sadd.s32 s21, s12;
	s21 =	smov.u32 s24;
	[sflag:s15] =	ssyncadd.s32 $0xFFFFFF80  }
0x4c: {  	[tilespmem:s16], [sflag:$0x2] =	stream.linear.gather [hbm4b:s22+s4], $0x80, $0x38;
	[tilespmem:$0x18100] =	vst v63  }
0x4d: {  	_ =	swait.ge [sflag:s15], $0x80  }
0x4e: {  	[sflag:s15] =	ssyncset.done $0x0  }
0x4f: {  	[sflag:s15] =	ssyncadd.s32 $0xFFFFFF80  }
0x50: {  	[tilespmem:s14], [sflag:$0x1] =	stream.indirect.gather [hbm4b:s1+s16], $0x80, s4, s16, $0xb8;
	[tilespmem:$0x18100] =	vst v63  }
0x51: {  	_ =	swait.ge [sflag:s17], $0x4000  }
.Ltmp1:
0x52: {  	[sflag:s17] =	ssyncset.done $0x0;
	(pc) =	sbr.rel @p0 .LBB2_4-.Ltmp1, $4  }
0x53: {  	[sflag:s17] =	ssyncadd.s32 $0xFFFFC000  }
0x54: {  	[spmem:s3] =	stream.indirect.scatter.add.f32 [tilespmem:s14], [sflag:$0x2], $0x80, s16, s16, $0xb8;
	[tilespmem:$0x18100] =	vst v63  }
0x55: {  	_ =	swait.ge [sflag:s15], $0x4000  }
0x56: {  	s22 =	smov.u32 s25;
	[sflag:s15] =	ssyncset.done $0x0  }
0x57: {  	s22 =	sadd.s32 s21, s13;
	[sflag:s15] =	ssyncadd.s32 $0xFFFFC000  }
0x58: {  	[tilespmem:s4], [sflag:$0x2] =	stream.linear.gather [hbm4b:s22+s4], $0x80, $0x38;
	[tilespmem:$0x18100] =	vst v63  }
0x59: {  	_ =	swait.ge [sflag:s15], $0x80  }
0x5a: {  	[sflag:s15] =	ssyncset.done $0x0  }
0x5b: {  	s31 =	sadd.s32 s21, s12;
	[sflag:s15] =	ssyncadd.s32 $0xFFFFFF80  }
0x5c: {  	[tilespmem:s16], [sflag:$0x2] =	stream.linear.gather [hbm4b:s31+s4], $0x80, $0x38;
	[tilespmem:$0x18100] =	vst v63  }
0x5d: {  	_ =	swait.ge [sflag:s15], $0x80  }
0x5e: {  	[sflag:s15] =	ssyncset.done $0x0  }
0x5f: {  	[sflag:s15] =	ssyncadd.s32 $0xFFFFFF80  }
0x60: {  	[tilespmem:s14], [sflag:$0x1] =	stream.indirect.gather [hbm4b:s1+s16], $0x80, s4, s16, $0xb8;
	[tilespmem:$0x18100] =	vst v63  }
0x61: {  	_ =	swait.ge [sflag:s17], $0x4000  }
0x62: {  	[sflag:s17] =	ssyncset.done $0x0  }
0x63: {  	[sflag:s17] =	ssyncadd.s32 $0xFFFFC000  }
0x64: {  	[spmem:s3] =	stream.indirect.scatter.add.f32 [tilespmem:s14], [sflag:$0x2], $0x80, s16, s16, $0xb8;
	[tilespmem:$0x18100] =	vst v63  }
0x65: {  	_ =	swait.ge [sflag:s15], $0x4000  }
0x66: {  	s20 =	sadd.s32 $0x1, s20;
	[sflag:s15] =	ssyncset.done $0x0  }
0x67: {  	p0 =	sne.s32 s20, s11;
	[sflag:s15] =	ssyncadd.s32 $0xFFFFC000  }
.Ltmp2:
0x68: {  	[bflag:$0x0] =	sbarrier.arrive $0xFFFF;
	(pc) =	sbr.rel @p0 .LBB2_1-.Ltmp2, $4  }
0x69: {  	[hbm:s10], [sflag:s18] =	dma.local [spmem:s19], $0x2800  }
0x6a: {  	_ =	swait.ge [sflag:s15], $0x2800  }
0x6b: {  	[sflag:s15] =	ssyncset.done $0x0  }
0x6c: {  	[sflag:s15] =	ssyncadd.s32 $0xFFFFD800  }
0x6d: {  	_ =	sfence.sel $0x180000  }
0x6e: {  	[bflag:$0x0] =	sbarrier.arrive $0xFFFF  }
0x6f: {  	p0 =	sne.s32 s0, $0x0;
	_ =	strace $0x9000004A  }
0x70: {  	s0 =	sadd.s32 @!p0 $0x100000, s2;
	[bflag:$0x2] =	sbarrier.arrive $0xFFFF  }
0x71: {  	[sflag:s0] =	ssyncadd.tile.s32 @!p0 $0x1;
	_ =	shalt  }
.Lfunc_end2:
_tile_overlayer_lowered:
.L_overlay_start_2:
0x72: {  	(tag) =	ssettag $0x2  }
0x73: {  	s0 =	rddreg [dreg:$0x0];
	s2 =	stileid.u32  }
0x74: {  	s1 =	rddreg [dreg:$0x1];
	p0 =	sne.s32 s2, $0x0  }
0x75: {  	s3 =	rddreg [dreg:$0x2];
	[bflag:$0x3] =	sbarrier.arrive $0xFFFF;
	s2 =	simm.s32 @!p0 $0x1C02  }
0x76: {  	[timem:s3], [sflag:s2] =	dma.local @!p0 [hbm:s0], s1  }
0x77: {  	s0 =	simm.s32 @!p0 $0x2  }
0x78: {  	_ =	swait.ge @!p0 [sflag:s0], s1  }
0x79: {  	s1 =	ssub.s32 @!p0 $0x0, s1;
	[sflag:s0] =	ssyncset.done @!p0 $0x0  }
0x7a: {  	[sflag:s0] =	ssyncadd.s32 @!p0 s1  }
0x7b: {  	[bflag:$0x3] =	sbarrier.arrive $0xFFFF  }
0x7c: {  	_ =	shalt  }

// kernel: kernel.15.cloned.1.call-start
scs
__scs_entry_jumppad:
0x0: {  	(pc) =	sbr.rel $0x88, $3  }
0x1: {  	(tag) =	ssettag $0x0;
	lr =	simm.s32 $0x1  }
0x2: {  	[smem:$0x3F90] =	sst lr;
	_ =	strace $0xD0000000  }
0x3: {  	_ = 	snop  }
0x4: {  	_ = 	snop  }
0x5: {  	_ = 	snop  }
0x6: {  	_ = 	snop  }
0x7: {  	_ = 	snop  }
__scs_overlays_trampoline_lowered:
0x8: {  	[smem:$0x3F9F] =	sst s0  }
0x9: {  	[smem:$0x3FA0] =	sst s1  }
0xa: {  	[smem:$0x3FA1] =	sst s2  }
0xb: {  	[smem:$0x3FA2] =	sst s3  }
0xc: {  	[smem:$0x3FA3] =	sst s4  }
0xd: {  	[smem:$0x3FA4] =	sst s5  }
0xe: {  	[smem:$0x3FA5] =	sst s6  }
0xf: {  	[smem:$0x3FA6] =	sst s7  }
0x10: {  	[smem:$0x3FA7] =	sst s8  }
0x11: {  	[smem:$0x3FA8] =	sst s9;
	s0 =	simm.s32 @!p0 $0x0  }
0x12: {  	s1 =	sld [smem:$0x3F8E];
	s0 =	simm.s32 @p0 $0x1  }
0x13: {  	[smem:$0x3FA9] =	sst s0;
	s0 =	simm.s32 @!p1 $0x0  }
0x14: {  	s2 =	sld [smem:$0x3F8D];
	s0 =	simm.s32 @p1 $0x1  }
0x15: {  	[smem:$0x3FAA] =	sst s0;
	s0 =	simm.s32 @!p2 $0x0  }
0x16: {  	s3 =	sld [smem:$0x3FDB];
	s0 =	simm.s32 @p2 $0x1  }
0x17: {  	s4 =	simm.s32 $0x1BF5;
	[smem:$0x3FAC] =	sst s0  }
0x18: {  	s0 =	sld [smem:$0x3F8F];
	_ =	swait.ge [sflag:s4], $0x0  }
0x19: {  	s7 =	sld [smem:$0x3F90]  }
0x1a: {  	s8 =	sadd.s32 $0xFFFFE003, lr  }
0x1b: {  	s9 =	sadd.s32 $0xFFFFFEF7, lr;
	s5 =	simm.s32 $0xFFFFFFFF;
	p2 =	slt.u32 s8, $0xFFFFF086  }
0x1c: {  	p1 =	slt.u32 s9, $0xF7A;
	s5 =	simm.s32 @!p2 $0x0  }
0x1d: {  	s5 =	simm.s32 @p1 $0x1;
	p0 =	seq.s32 s7, s2  }
0x1e: {  	s7 =	smul.u32 @!p0 $0xF7A, s2;
	p2 =	seq.s32 @!p0 s5, $0x0  }
0x1f: {  	s9 =	smul.u32 $0xF7A, s1;
	s8 =	simm.s32 @!p0 $0x1BF5;
	p2 =	por !p2, p0  }
0x20: {  	[sflag:s8] =	ssyncset.s32 @!p0 $0xFFFFF086;
	s6 =	sadd.s32 @!p0 s3, s7;
	s7 =	simm.s32 @!p0 $0x108  }
0x21: {  	s3 =	sadd.s32 s3, s9;
	s6 =	sadd.s32 @!p0 $0x88, s6;
	s7 =	simm.s32 @p2 $0x1082  }
0x22: {  	[simem:s7], [sflag:s8] =	dma.local @!p0 [hbm:s6], $0xF7A  }
0x23: {  	s9 =	sor.u32 $0xD0000000, s2;
	s6 =	simm.s32 $0x108;
	_ =	swait.ge @!p0 [sflag:s8], $0x0  }
0x24: {  	s3 =	sadd.s32 $0x88, s3;
	s6 =	simm.s32 @!p1 $0x1082;
	[sflag:s4] =	ssyncset.s32 $0xFFFFF086  }
0x25: {  	[simem:s6], [sflag:s4] =	dma.local [hbm:s3], $0xF7A  }
0x26: {  	[smem:$0x3F90] =	sst s1;
	(tag) =	ssettag s2;
	_ =	strace s9  }
0x27: {  	s1 =	sld [smem:$0x3FA0]  }
0x28: {  	s2 =	sld [smem:$0x3FA1]  }
0x29: {  	s4 =	sld [smem:$0x3FA3]  }
0x2a: {  	p0 =	seq.s32 s5, $0x0;
	s5 =	sld [smem:$0x3FA4]  }
0x2b: {  	s6 =	sld [smem:$0x3FA5]  }
0x2c: {  	s7 =	sld [smem:$0x3FA6]  }
0x2d: {  	s3 =	simm.s32 $0x108;
	s8 =	sld [smem:$0x3FA7]  }
0x2e: {  	s3 =	simm.s32 @!p0 $0x1082;
	s9 =	sld [smem:$0x3FA8]  }
0x2f: {  	lr =	sadd.s32 s0, s3;
	s0 =	sld [smem:$0x3F9F]  }
0x30: {  	s3 =	sld [smem:$0x3FA2]  }
0x31: {  	[smem:$0x3FAB] =	sst s10  }
0x32: {  	s10 =	sld [smem:$0x3FA9];
	_ =	sdelay $0x3  }
0x33: {  	p0 =	seq.s32 s10, $0x1;
	s10 =	sld [smem:$0x3FAB];
	_ =	sdelay $0x3  }
0x34: {  	[smem:$0x3FAB] =	sst s10  }
0x35: {  	s10 =	sld [smem:$0x3FAA];
	_ =	sdelay $0x3  }
0x36: {  	p1 =	seq.s32 s10, $0x1;
	s10 =	sld [smem:$0x3FAB];
	_ =	sdelay $0x3  }
0x37: {  	[smem:$0x3FAB] =	sst s10  }
0x38: {  	s10 =	sld [smem:$0x3FAC]  }
0x39: {  	_ = 	snop;
	(pc) =	sbr.ind lr, $3  }
0x3a: {  	_ = 	snop  }
0x3b: {  	_ = 	snop  }
0x3c: {  	p2 =	seq.s32 s10, $0x1;
	s10 =	sld [smem:$0x3FAB]  }
0x3d: {  	_ =	shalt  }
0x3e: {  	_ =	shalt  }
0x3f: {  	_ =	shalt  }
0x40: {  	_ =	shalt  }
0x41: {  	_ =	shalt  }
0x42: {  	_ =	shalt  }
0x43: {  	_ =	shalt  }
0x44: {  	_ =	shalt  }
0x45: {  	_ =	shalt  }
0x46: {  	_ =	shalt  }
0x47: {  	_ =	shalt  }
0x48: {  	_ =	shalt  }
0x49: {  	_ =	shalt  }
0x4a: {  	_ =	shalt  }
0x4b: {  	_ =	shalt  }
0x4c: {  	_ =	shalt  }
0x4d: {  	_ =	shalt  }
0x4e: {  	_ =	shalt  }
0x4f: {  	_ =	shalt  }
0x50: {  	_ =	shalt  }
0x51: {  	_ =	shalt  }
0x52: {  	_ =	shalt  }
0x53: {  	_ =	shalt  }
0x54: {  	_ =	shalt  }
0x55: {  	_ =	shalt  }
0x56: {  	_ =	shalt  }
0x57: {  	_ =	shalt  }
0x58: {  	_ =	shalt  }
0x59: {  	_ =	shalt  }
0x5a: {  	_ =	shalt  }
0x5b: {  	_ =	shalt  }
0x5c: {  	_ =	shalt  }
0x5d: {  	_ =	shalt  }
0x5e: {  	_ =	shalt  }
0x5f: {  	_ =	shalt  }
0x60: {  	_ =	shalt  }
0x61: {  	_ =	shalt  }
0x62: {  	_ =	shalt  }
0x63: {  	_ =	shalt  }
0x64: {  	_ =	shalt  }
0x65: {  	_ =	shalt  }
0x66: {  	_ =	shalt  }
0x67: {  	_ =	shalt  }
0x68: {  	_ =	shalt  }
0x69: {  	_ =	shalt  }
0x6a: {  	_ =	shalt  }
0x6b: {  	_ =	shalt  }
0x6c: {  	_ =	shalt  }
0x6d: {  	_ =	shalt  }
0x6e: {  	_ =	shalt  }
0x6f: {  	_ =	shalt  }
0x70: {  	_ =	shalt  }
0x71: {  	_ =	shalt  }
0x72: {  	_ =	shalt  }
0x73: {  	_ =	shalt  }
0x74: {  	_ =	shalt  }
0x75: {  	_ =	shalt  }
0x76: {  	_ =	shalt  }
0x77: {  	_ =	shalt  }
0x78: {  	_ =	shalt  }
0x79: {  	_ =	shalt  }
0x7a: {  	_ =	shalt  }
0x7b: {  	_ =	shalt  }
0x7c: {  	_ =	shalt  }
0x7d: {  	_ =	shalt  }
0x7e: {  	_ =	shalt  }
0x7f: {  	_ =	shalt  }
0x80: {  	_ =	shalt  }
0x81: {  	_ =	shalt  }
0x82: {  	_ =	shalt  }
0x83: {  	_ =	shalt  }
0x84: {  	_ =	shalt  }
0x85: {  	_ =	shalt  }
0x86: {  	_ =	shalt  }
0x87: {  	_ =	shalt  }
.Lfunc_end0:
.L_simem_size_0:
called_computation.2_lowered:
.L_overlay_start_0:
0x88: {  	s2 =	sld [smem:$0x3FD9]  }
0x89: {  	s3 =	sld [smem:$0x3FFE];
	_ =	sdelay $0x1  }
0x8a: {  	s1 =	srdreg.scid  }
0x8b: {  	s0 =	sand.u32 $0x1, s1  }
0x8c: {  	s17 =	sshll.u32 s0, $0xA;
	s2 =	sadd.s32 s3, s2  }
0x8d: {  	s2 =	sadd.s32 s2, s17  }
0x8e: {  	[smem:$0x3FB7] =	sst s2  }
0x8f: {  	_ = 	snop  }
0x90: {  	s2 =	sld [smem:$0x3FD0];
	(tm) =	ssettm $0x1  }
0x91: {  	s18 =	sld [smem:$0x3FFB];
	_ =	sdelay $0x3  }
0x92: {  	_ =	strace s18  }
0x93: {  	s3 =	sld [smem:$0x3FFC];
	_ =	sdelay $0x3  }
0x94: {  	_ =	strace s3  }
0x95: {  	s3 =	sld [smem:$0x3FFD];
	_ =	sdelay $0x3  }
0x96: {  	_ =	strace s3  }
0x97: {  	_ =	strace $0x8FFFFFFF  }
0x98: {  	s19 =	sld [smem:$0x3FDB];
	_ =	sdelay $0x1  }
0x99: {  	s4 =	simm.s32 $_scs_section_size  }
0x9a: {  	s5 =	simm.s32 $_size__tile_overlayer_lowered;
	s6 =	simm.s32 $_tile_overlayer_lowered  }
0x9b: {  	s22 =	simm.s32 $0x1BFF;
	s21 =	sshll.u32 s6, $0x1;
	s3 =	sadd.s32 s4, s19  }
0x9c: {  	s7 =	simm.s32 $0x0;
	s20 =	sshll.u32 s5, $0x1;
	s5 =	sadd.s32 s21, s3  }
0x9d: {  	[timem:s7], [sflag:s22] =	dma.local [hbm:s5], s20  }
0x9e: {  	_ =	swait.ge [sflag:s22], s20  }
0x9f: {  	s4 =	ssub.s32 $0x0, s20;
	[sflag:s22] =	ssyncset.done $0x0  }
0xa0: {  	[sflag:s22] =	ssyncadd.s32 s4;
	_ =	sdelay $0x1  }
0xa1: {  	s23 =	simm.s32 $0x1B8B  }
0xa2: {  	_ =	swait.ge [sflag:s23], $0x1  }
0xa3: {  	[sflag:s23] =	ssyncset.done $0x0  }
0xa4: {  	s25 =	simm.s32 $0x1B8E;
	s24 =	sld [smem:$0x3FFE];
	[sflag:s23] =	ssyncadd.s32 $0xFFFFFFFF  }
0xa5: {  	s26 =	simm.s32 $execute0_lowered;
	[smem:$0x3FD2] =	sst s25  }
0xa6: {  	s5 =	sshll.u32 s26, $0x1;
	_ =	strace $0x8000004C;
	[dreg:$0x1] =	wrdreg $0xFFFFFFFF  }
0xa7: {  	s28 =	simm.s32 $_size_execute0_lowered;
	s3 =	sadd.s32 s3, s5;
	[dreg:$0x0] =	wrdreg $0x0  }
0xa8: {  	s5 =	sshll.u32 s28, $0x1;
	[dreg:$0x2] =	wrdreg s3  }
0xa9: {  	[dreg:$0x3] =	wrdreg s5  }
0xaa: {  	[dreg:$0x4] =	wrdreg $0xC0  }
0xab: {  	_ =	task [dreg:s7], $0x5FFFF  }
0xac: {  	[dreg:$0x1] =	wrdreg $0xFFFFFFFF  }
0xad: {  	[dreg:$0x0] =	wrdreg $0x60  }
0xae: {  	[dreg:$0x2] =	wrdreg s2  }
0xaf: {  	[dreg:$0x3] =	wrdreg s24  }
0xb0: {  	[dreg:$0x4] =	wrdreg $0x41000  }
0xb1: {  	[dreg:$0x5] =	wrdreg $0x9  }
0xb2: {  	_ =	task.clear_ibuf [dreg:s7], $0x6FFFF;
	_ =	strace $0x9000004C  }
0xb3: {  	s29 =	simm.s32 $0x9;
	_ =	strace $0x8000004E  }
0xb4: {  	_ =	swait.ge [sflag:s29], $0x1  }
0xb5: {  	[sflag:s29] =	ssyncadd.s32 $0xFFFFFFFF  }
0xb6: {  	_ =	strace $0x9000004E  }
0xb7: {  	_ =	sfence  }
0xb8: {  	s30 =	sld [smem:$0x0];
	_ =	sdelay $0x2  }
0xb9: {  	s31 =	sshll.u32 s1, $0xD;
	s1 =	sshrl.u32 s1, $0x2  }
0xba: {  	s3 =	sand.u32 $0x4000, s31;
	s1 =	sadd.s32 s1, s30  }
0xbb: {  	s0 =	sor.u32 s3, s0;
	s1 =	sshll.u32 s1, $0x11  }
0xbc: {  	s0 =	sor.u32 s1, s0  }
0xbd: {  	s0 =	sadd.s32 $0x8F2B, s0  }
0xbe: {  	[sflag:s0] =	ssyncadd.remote.s32 $0x1  }
0xbf: {  	_ =	sfence.sel $0xFFFF  }
0xc0: {  	[dreg:$0x0] =	wrdreg $0xFFFFFFFF;
	(pc) =	sbr.abs _section_cstart, $3  }
0xc1: {  	[dreg:$0x1] =	wrdreg $0xFFFFFFFF  }
0xc2: {  	_ =	task.clear_ibuf [dreg:s7], $0x2FFFF;
	_ =	strace $0x9FFFFFFF  }
0xc3: {  	(tm) =	ssettm $0x7FFFFFFF  }
tec
execute0_lowered:
.L_overlay_start_1:
0x0: {  	(tag) =	ssettag $0x1  }
0x1: {  	s1 =	rddreg [dreg:$0x0]  }
0x2: {  	s5 =	rddreg [dreg:$0x1]  }
0x3: {  	s0 =	srdreg.scid;
	s3 =	rddreg [dreg:$0x2]  }
0x4: {  	s2 =	rddreg [dreg:$0x3];
	s6 =	sand.u32 $0x1, s0  }
0x5: {  	s0 =	stileid.u32;
	s7 =	smul.u32 $0x140000, s6  }
0x6: {  	s4 =	simm.s32 $0x0;
	s15 =	simm.s32 $0x2;
	s8 =	smul.u32 $0x14000, s0  }
0x7: {  	s16 =	simm.s32 $0x80;
	s17 =	simm.s32 $0x1;
	s9 =	smul.u32 $0x4F00, s6  }
0x8: {  	s20 =	simm.s32 $0x0;
	[smem:$0x7FF] =	sst s4;
	s29 =	smul.u32 $0x50000, s0  }
0x9: {  	_ =	strace $0x8000004D;
	s6 =	ssub.s32 $0x2, s6;
	s18 =	sshll.u32 s0, $0x6  }
0xa: {  	s12 =	smul.u32 $0x4F0, s0;
	s31 =	sshrl.u32 s6, $0x1;
	s18 =	sor.u32 $0x1C02, s18  }
0xb: {  	s7 =	sadd.s32 s8, s7;
	s10 =	sadd.s32 s9, s5;
	s30 =	sshrl.u32 s29, $0x2  }
0xc: {  	s13 =	ssub.s32 s6, s31;
	s7 =	sshrl.u32 s7, $0x3;
	s14 =	sadd.s32 s12, s10  }
0xd: {  	s11 =	sadd.s32 s7, s5;
	s5 =	sadd.s32 s30, s3;
	s12 =	sadd.s32 $0x3200, s14  }
0xe: {  	s6 =	sadd.s32 $0x4000, s5;
	s7 =	sadd.s32 $0x8000, s5;
	s8 =	sadd.s32 $0xC000, s5  }
0xf: {  	s9 =	sadd.s32 $0x10000, s5;
	s10 =	sadd.s32 $0x16E00, s11;
	s11 =	smax.u32 s13, $0x1  }
0x10: {  	v0 =	vimm.f32 $0.0e+00;
	s13 =	sadd.s32 $0xD000, s14;
	s14 =	simm.s32 $0x100;
	s19 =	sshrl.u32 s5, $0x3  }
.LBB2_1:
0x11: {  	s21 =	simm.s32 $0x0;
	s22 =	simm.s32 $0x200  }
.LBB2_2:
0x12: {  	p0 =	sne.s32 s22, $0xFE00;
	[tilespmem:s21+$0x170] =	vst v0  }
0x13: {  	[tilespmem:s21+$0x100] =	vst v0  }
0x14: {  	[tilespmem:s21+$0x110] =	vst v0  }
.Ltmp0:
0x15: {  	[tilespmem:s21+$0x120] =	vst v0;
	(pc) =	sbr.rel @p0 .LBB2_2-.Ltmp0, $4  }
0x16: {  	[tilespmem:s21+$0x130] =	vst v0  }
0x17: {  	[tilespmem:s21+$0x140] =	vst v0  }
0x18: {  	[tilespmem:s21+$0x150] =	vst v0  }
0x19: {  	[tilespmem:s21+$0x160] =	vst v0;
	s21 =	sshra.s32 s22, $0x2;
	s22 =	sadd.s32 $0x200, s22  }
0x1a: {  	[tilespmem:s21+$0x170] =	vst v0  }
0x1b: {  	[tilespmem:s21+$0x100] =	vst v0  }
0x1c: {  	[tilespmem:s21+$0x110] =	vst v0  }
0x1d: {  	[tilespmem:s21+$0x120] =	vst v0  }
0x1e: {  	[tilespmem:s21+$0x130] =	vst v0  }
0x1f: {  	[tilespmem:s21+$0x140] =	vst v0  }
0x20: {  	[tilespmem:s21+$0x150] =	vst v0  }
0x21: {  	[tilespmem:s21+$0x160] =	vst v0  }
0x22: {  	[spmem:s5] =	stream.linear.scatter [tilespmem:s14], [sflag:$0x2], $0x4000, $0x38;
	[tilespmem:$0x18100] =	vst v63  }
0x23: {  	_ =	swait.ge [sflag:s15], $0x4000  }
0x24: {  	[sflag:s15] =	ssyncset.done $0x0  }
0x25: {  	[sflag:s15] =	ssyncadd.s32 $0xFFFFC000  }
0x26: {  	[spmem:s6] =	stream.linear.scatter [tilespmem:s14], [sflag:$0x2], $0x4000, $0x38;
	[tilespmem:$0x18100] =	vst v63  }
0x27: {  	_ =	swait.ge [sflag:s15], $0x4000  }
0x28: {  	[sflag:s15] =	ssyncset.done $0x0  }
0x29: {  	[sflag:s15] =	ssyncadd.s32 $0xFFFFC000  }
0x2a: {  	[spmem:s7] =	stream.linear.scatter [tilespmem:s14], [sflag:$0x2], $0x4000, $0x38;
	[tilespmem:$0x18100] =	vst v63  }
0x2b: {  	_ =	swait.ge [sflag:s15], $0x4000  }
0x2c: {  	[sflag:s15] =	ssyncset.done $0x0  }
0x2d: {  	[sflag:s15] =	ssyncadd.s32 $0xFFFFC000  }
0x2e: {  	[spmem:s8] =	stream.linear.scatter [tilespmem:s14], [sflag:$0x2], $0x4000, $0x38;
	[tilespmem:$0x18100] =	vst v63  }
0x2f: {  	_ =	swait.ge [sflag:s15], $0x4000  }
0x30: {  	[sflag:s15] =	ssyncset.done $0x0  }
0x31: {  	[sflag:s15] =	ssyncadd.s32 $0xFFFFC000  }
0x32: {  	[spmem:s9] =	stream.linear.scatter [tilespmem:s14], [sflag:$0x2], $0x4000, $0x38;
	[tilespmem:$0x18100] =	vst v63  }
0x33: {  	_ =	swait.ge [sflag:s15], $0x4000  }
0x34: {  	[sflag:s15] =	ssyncset.done $0x0  }
0x35: {  	[sflag:s15] =	ssyncadd.s32 $0xFFFFC000  }
0x36: {  	s30 =	sadd.s32 $0x0, s13;
	[bflag:$0x0] =	sbarrier.arrive $0xFFFF  }
0x37: {  	[tilespmem:s4], [sflag:$0x2] =	stream.linear.gather [hbm4b:s30+s4], $0x80, $0x38;
	[tilespmem:$0x18100] =	vst v63  }
0x38: {  	_ =	swait.ge [sflag:s15], $0x80  }
0x39: {  	[sflag:s15] =	ssyncset.done $0x0  }
0x3a: {  	s31 =	sadd.s32 $0x0, s12;
	[sflag:s15] =	ssyncadd.s32 $0xFFFFFF80  }
0x3b: {  	[tilespmem:s16], [sflag:$0x2] =	stream.linear.gather [hbm4b:s31+s4], $0x80, $0x38;
	[tilespmem:$0x18100] =	vst v63  }
0x3c: {  	_ =	swait.ge [sflag:s15], $0x80  }
0x3d: {  	[sflag:s15] =	ssyncset.done $0x0  }
0x3e: {  	[sflag:s15] =	ssyncadd.s32 $0xFFFFFF80  }
0x3f: {  	[tilespmem:s14], [sflag:$0x1] =	stream.indirect.gather [hbm4b:s1+s16], $0x80, s4, s16, $0xb8;
	[tilespmem:$0x18100] =	vst v63  }
0x40: {  	_ =	swait.ge [sflag:s17], $0x4000  }
0x41: {  	[sflag:s17] =	ssyncset.done $0x0  }
0x42: {  	[sflag:s17] =	ssyncadd.s32 $0xFFFFC000  }
0x43: {  	[spmem:s3] =	stream.indirect.scatter.add.f32 [tilespmem:s14], [sflag:$0x2], $0x80, s16, s16, $0xb8;
	[tilespmem:$0x18100] =	vst v63  }
0x44: {  	_ =	swait.ge [sflag:s15], $0x4000  }
0x45: {  	s21 =	simm.s32 $0x10;
	s22 =	simm.s32 $0x20;
	[sflag:s15] =	ssyncset.done $0x0  }
.LBB2_4:
0x46: {  	s23 =	sadd.s32 s21, s13  }
0x47: {  	[sflag:s15] =	ssyncadd.s32 $0xFFFFC000;
	s24 =	smov.u32 s22;
	s25 =	sadd.s32 $0x10, s22  }
0x48: {  	[tilespmem:s4], [sflag:$0x2] =	stream.linear.gather [hbm4b:s23+s4], $0x80, $0x38;
	[tilespmem:$0x18100] =	vst v63  }
0x49: {  	p0 =	sne.s32 s22, $0x4E0;
	_ =	swait.ge [sflag:s15], $0x80  }
0x4a: {  	[sflag:s15] =	ssyncset.done $0x0  }
0x4b: {  	s22 =	sadd.s32 s21, s12;
	s21 =	smov.u32 s24;
	[sflag:s15] =	ssyncadd.s32 $0xFFFFFF80  }
0x4c: {  	[tilespmem:s16], [sflag:$0x2] =	stream.linear.gather [hbm4b:s22+s4], $0x80, $0x38;
	[tilespmem:$0x18100] =	vst v63  }
0x4d: {  	_ =	swait.ge [sflag:s15], $0x80  }
0x4e: {  	[sflag:s15] =	ssyncset.done $0x0  }
0x4f: {  	[sflag:s15] =	ssyncadd.s32 $0xFFFFFF80  }
0x50: {  	[tilespmem:s14], [sflag:$0x1] =	stream.indirect.gather [hbm4b:s1+s16], $0x80, s4, s16, $0xb8;
	[tilespmem:$0x18100] =	vst v63  }
0x51: {  	_ =	swait.ge [sflag:s17], $0x4000  }
.Ltmp1:
0x52: {  	[sflag:s17] =	ssyncset.done $0x0;
	(pc) =	sbr.rel @p0 .LBB2_4-.Ltmp1, $4  }
0x53: {  	[sflag:s17] =	ssyncadd.s32 $0xFFFFC000  }
0x54: {  	[spmem:s3] =	stream.indirect.scatter.add.f32 [tilespmem:s14], [sflag:$0x2], $0x80, s16, s16, $0xb8;
	[tilespmem:$0x18100] =	vst v63  }
0x55: {  	_ =	swait.ge [sflag:s15], $0x4000  }
0x56: {  	s22 =	smov.u32 s25;
	[sflag:s15] =	ssyncset.done $0x0  }
0x57: {  	s22 =	sadd.s32 s21, s13;
	[sflag:s15] =	ssyncadd.s32 $0xFFFFC000  }
0x58: {  	[tilespmem:s4], [sflag:$0x2] =	stream.linear.gather [hbm4b:s22+s4], $0x80, $0x38;
	[tilespmem:$0x18100] =	vst v63  }
0x59: {  	_ =	swait.ge [sflag:s15], $0x80  }
0x5a: {  	[sflag:s15] =	ssyncset.done $0x0  }
0x5b: {  	s31 =	sadd.s32 s21, s12;
	[sflag:s15] =	ssyncadd.s32 $0xFFFFFF80  }
0x5c: {  	[tilespmem:s16], [sflag:$0x2] =	stream.linear.gather [hbm4b:s31+s4], $0x80, $0x38;
	[tilespmem:$0x18100] =	vst v63  }
0x5d: {  	_ =	swait.ge [sflag:s15], $0x80  }
0x5e: {  	[sflag:s15] =	ssyncset.done $0x0  }
0x5f: {  	[sflag:s15] =	ssyncadd.s32 $0xFFFFFF80  }
0x60: {  	[tilespmem:s14], [sflag:$0x1] =	stream.indirect.gather [hbm4b:s1+s16], $0x80, s4, s16, $0xb8;
	[tilespmem:$0x18100] =	vst v63  }
0x61: {  	_ =	swait.ge [sflag:s17], $0x4000  }
0x62: {  	[sflag:s17] =	ssyncset.done $0x0  }
0x63: {  	[sflag:s17] =	ssyncadd.s32 $0xFFFFC000  }
0x64: {  	[spmem:s3] =	stream.indirect.scatter.add.f32 [tilespmem:s14], [sflag:$0x2], $0x80, s16, s16, $0xb8;
	[tilespmem:$0x18100] =	vst v63  }
0x65: {  	_ =	swait.ge [sflag:s15], $0x4000  }
0x66: {  	s20 =	sadd.s32 $0x1, s20;
	[sflag:s15] =	ssyncset.done $0x0  }
0x67: {  	p0 =	sne.s32 s20, s11;
	[sflag:s15] =	ssyncadd.s32 $0xFFFFC000  }
.Ltmp2:
0x68: {  	[bflag:$0x0] =	sbarrier.arrive $0xFFFF;
	(pc) =	sbr.rel @p0 .LBB2_1-.Ltmp2, $4  }
0x69: {  	[hbm:s10], [sflag:s18] =	dma.local [spmem:s19], $0x2800  }
0x6a: {  	_ =	swait.ge [sflag:s15], $0x2800  }
0x6b: {  	[sflag:s15] =	ssyncset.done $0x0  }
0x6c: {  	[sflag:s15] =	ssyncadd.s32 $0xFFFFD800  }
0x6d: {  	_ =	sfence.sel $0x180000  }
0x6e: {  	[bflag:$0x0] =	sbarrier.arrive $0xFFFF  }
0x6f: {  	p0 =	sne.s32 s0, $0x0;
	_ =	strace $0x9000004D  }
0x70: {  	s0 =	sadd.s32 @!p0 $0x100000, s2;
	[bflag:$0x2] =	sbarrier.arrive $0xFFFF  }
0x71: {  	[sflag:s0] =	ssyncadd.tile.s32 @!p0 $0x1;
	_ =	shalt  }
.Lfunc_end2:
_tile_overlayer_lowered:
.L_overlay_start_2:
0x72: {  	(tag) =	ssettag $0x2  }
0x73: {  	s0 =	rddreg [dreg:$0x0];
	s2 =	stileid.u32  }
0x74: {  	s1 =	rddreg [dreg:$0x1];
	p0 =	sne.s32 s2, $0x0  }
0x75: {  	s3 =	rddreg [dreg:$0x2];
	[bflag:$0x3] =	sbarrier.arrive $0xFFFF;
	s2 =	simm.s32 @!p0 $0x1C02  }
0x76: {  	[timem:s3], [sflag:s2] =	dma.local @!p0 [hbm:s0], s1  }
0x77: {  	s0 =	simm.s32 @!p0 $0x2  }
0x78: {  	_ =	swait.ge @!p0 [sflag:s0], s1  }
0x79: {  	s1 =	ssub.s32 @!p0 $0x0, s1;
	[sflag:s0] =	ssyncset.done @!p0 $0x0  }
0x7a: {  	[sflag:s0] =	ssyncadd.s32 @!p0 s1  }
0x7b: {  	[bflag:$0x3] =	sbarrier.arrive $0xFFFF  }
0x7c: {  	_ =	shalt  }

// kernel: kernel.9.cloned.1.call-start
scs
__scs_entry_jumppad:
0x0: {  	(pc) =	sbr.rel $0x88, $3  }
0x1: {  	(tag) =	ssettag $0x0;
	lr =	simm.s32 $0x1  }
0x2: {  	[smem:$0x3F90] =	sst lr;
	_ =	strace $0xD0000000  }
0x3: {  	_ = 	snop  }
0x4: {  	_ = 	snop  }
0x5: {  	_ = 	snop  }
0x6: {  	_ = 	snop  }
0x7: {  	_ = 	snop  }
__scs_overlays_trampoline_lowered:
0x8: {  	[smem:$0x3F9F] =	sst s0  }
0x9: {  	[smem:$0x3FA0] =	sst s1  }
0xa: {  	[smem:$0x3FA1] =	sst s2  }
0xb: {  	[smem:$0x3FA2] =	sst s3  }
0xc: {  	[smem:$0x3FA3] =	sst s4  }
0xd: {  	[smem:$0x3FA4] =	sst s5  }
0xe: {  	[smem:$0x3FA5] =	sst s6  }
0xf: {  	[smem:$0x3FA6] =	sst s7  }
0x10: {  	[smem:$0x3FA7] =	sst s8  }
0x11: {  	[smem:$0x3FA8] =	sst s9;
	s0 =	simm.s32 @!p0 $0x0  }
0x12: {  	s1 =	sld [smem:$0x3F8E];
	s0 =	simm.s32 @p0 $0x1  }
0x13: {  	[smem:$0x3FA9] =	sst s0;
	s0 =	simm.s32 @!p1 $0x0  }
0x14: {  	s2 =	sld [smem:$0x3F8D];
	s0 =	simm.s32 @p1 $0x1  }
0x15: {  	[smem:$0x3FAA] =	sst s0;
	s0 =	simm.s32 @!p2 $0x0  }
0x16: {  	s3 =	sld [smem:$0x3FDB];
	s0 =	simm.s32 @p2 $0x1  }
0x17: {  	s4 =	simm.s32 $0x1BF5;
	[smem:$0x3FAC] =	sst s0  }
0x18: {  	s0 =	sld [smem:$0x3F8F];
	_ =	swait.ge [sflag:s4], $0x0  }
0x19: {  	s7 =	sld [smem:$0x3F90]  }
0x1a: {  	s8 =	sadd.s32 $0xFFFFE003, lr  }
0x1b: {  	s9 =	sadd.s32 $0xFFFFFEF7, lr;
	s5 =	simm.s32 $0xFFFFFFFF;
	p2 =	slt.u32 s8, $0xFFFFF086  }
0x1c: {  	p1 =	slt.u32 s9, $0xF7A;
	s5 =	simm.s32 @!p2 $0x0  }
0x1d: {  	s5 =	simm.s32 @p1 $0x1;
	p0 =	seq.s32 s7, s2  }
0x1e: {  	s7 =	smul.u32 @!p0 $0xF7A, s2;
	p2 =	seq.s32 @!p0 s5, $0x0  }
0x1f: {  	s9 =	smul.u32 $0xF7A, s1;
	s8 =	simm.s32 @!p0 $0x1BF5;
	p2 =	por !p2, p0  }
0x20: {  	[sflag:s8] =	ssyncset.s32 @!p0 $0xFFFFF086;
	s6 =	sadd.s32 @!p0 s3, s7;
	s7 =	simm.s32 @!p0 $0x108  }
0x21: {  	s3 =	sadd.s32 s3, s9;
	s6 =	sadd.s32 @!p0 $0x88, s6;
	s7 =	simm.s32 @p2 $0x1082  }
0x22: {  	[simem:s7], [sflag:s8] =	dma.local @!p0 [hbm:s6], $0xF7A  }
0x23: {  	s9 =	sor.u32 $0xD0000000, s2;
	s6 =	simm.s32 $0x108;
	_ =	swait.ge @!p0 [sflag:s8], $0x0  }
0x24: {  	s3 =	sadd.s32 $0x88, s3;
	s6 =	simm.s32 @!p1 $0x1082;
	[sflag:s4] =	ssyncset.s32 $0xFFFFF086  }
0x25: {  	[simem:s6], [sflag:s4] =	dma.local [hbm:s3], $0xF7A  }
0x26: {  	[smem:$0x3F90] =	sst s1;
	(tag) =	ssettag s2;
	_ =	strace s9  }
0x27: {  	s1 =	sld [smem:$0x3FA0]  }
0x28: {  	s2 =	sld [smem:$0x3FA1]  }
0x29: {  	s4 =	sld [smem:$0x3FA3]  }
0x2a: {  	p0 =	seq.s32 s5, $0x0;
	s5 =	sld [smem:$0x3FA4]  }
0x2b: {  	s6 =	sld [smem:$0x3FA5]  }
0x2c: {  	s7 =	sld [smem:$0x3FA6]  }
0x2d: {  	s3 =	simm.s32 $0x108;
	s8 =	sld [smem:$0x3FA7]  }
0x2e: {  	s3 =	simm.s32 @!p0 $0x1082;
	s9 =	sld [smem:$0x3FA8]  }
0x2f: {  	lr =	sadd.s32 s0, s3;
	s0 =	sld [smem:$0x3F9F]  }
0x30: {  	s3 =	sld [smem:$0x3FA2]  }
0x31: {  	[smem:$0x3FAB] =	sst s10  }
0x32: {  	s10 =	sld [smem:$0x3FA9];
	_ =	sdelay $0x3  }
0x33: {  	p0 =	seq.s32 s10, $0x1;
	s10 =	sld [smem:$0x3FAB];
	_ =	sdelay $0x3  }
0x34: {  	[smem:$0x3FAB] =	sst s10  }
0x35: {  	s10 =	sld [smem:$0x3FAA];
	_ =	sdelay $0x3  }
0x36: {  	p1 =	seq.s32 s10, $0x1;
	s10 =	sld [smem:$0x3FAB];
	_ =	sdelay $0x3  }
0x37: {  	[smem:$0x3FAB] =	sst s10  }
0x38: {  	s10 =	sld [smem:$0x3FAC]  }
0x39: {  	_ = 	snop;
	(pc) =	sbr.ind lr, $3  }
0x3a: {  	_ = 	snop  }
0x3b: {  	_ = 	snop  }
0x3c: {  	p2 =	seq.s32 s10, $0x1;
	s10 =	sld [smem:$0x3FAB]  }
0x3d: {  	_ =	shalt  }
0x3e: {  	_ =	shalt  }
0x3f: {  	_ =	shalt  }
0x40: {  	_ =	shalt  }
0x41: {  	_ =	shalt  }
0x42: {  	_ =	shalt  }
0x43: {  	_ =	shalt  }
0x44: {  	_ =	shalt  }
0x45: {  	_ =	shalt  }
0x46: {  	_ =	shalt  }
0x47: {  	_ =	shalt  }
0x48: {  	_ =	shalt  }
0x49: {  	_ =	shalt  }
0x4a: {  	_ =	shalt  }
0x4b: {  	_ =	shalt  }
0x4c: {  	_ =	shalt  }
0x4d: {  	_ =	shalt  }
0x4e: {  	_ =	shalt  }
0x4f: {  	_ =	shalt  }
0x50: {  	_ =	shalt  }
0x51: {  	_ =	shalt  }
0x52: {  	_ =	shalt  }
0x53: {  	_ =	shalt  }
0x54: {  	_ =	shalt  }
0x55: {  	_ =	shalt  }
0x56: {  	_ =	shalt  }
0x57: {  	_ =	shalt  }
0x58: {  	_ =	shalt  }
0x59: {  	_ =	shalt  }
0x5a: {  	_ =	shalt  }
0x5b: {  	_ =	shalt  }
0x5c: {  	_ =	shalt  }
0x5d: {  	_ =	shalt  }
0x5e: {  	_ =	shalt  }
0x5f: {  	_ =	shalt  }
0x60: {  	_ =	shalt  }
0x61: {  	_ =	shalt  }
0x62: {  	_ =	shalt  }
0x63: {  	_ =	shalt  }
0x64: {  	_ =	shalt  }
0x65: {  	_ =	shalt  }
0x66: {  	_ =	shalt  }
0x67: {  	_ =	shalt  }
0x68: {  	_ =	shalt  }
0x69: {  	_ =	shalt  }
0x6a: {  	_ =	shalt  }
0x6b: {  	_ =	shalt  }
0x6c: {  	_ =	shalt  }
0x6d: {  	_ =	shalt  }
0x6e: {  	_ =	shalt  }
0x6f: {  	_ =	shalt  }
0x70: {  	_ =	shalt  }
0x71: {  	_ =	shalt  }
0x72: {  	_ =	shalt  }
0x73: {  	_ =	shalt  }
0x74: {  	_ =	shalt  }
0x75: {  	_ =	shalt  }
0x76: {  	_ =	shalt  }
0x77: {  	_ =	shalt  }
0x78: {  	_ =	shalt  }
0x79: {  	_ =	shalt  }
0x7a: {  	_ =	shalt  }
0x7b: {  	_ =	shalt  }
0x7c: {  	_ =	shalt  }
0x7d: {  	_ =	shalt  }
0x7e: {  	_ =	shalt  }
0x7f: {  	_ =	shalt  }
0x80: {  	_ =	shalt  }
0x81: {  	_ =	shalt  }
0x82: {  	_ =	shalt  }
0x83: {  	_ =	shalt  }
0x84: {  	_ =	shalt  }
0x85: {  	_ =	shalt  }
0x86: {  	_ =	shalt  }
0x87: {  	_ =	shalt  }
.Lfunc_end0:
.L_simem_size_0:
called_computation_lowered:
.L_overlay_start_0:
0x88: {  	s2 =	sld [smem:$0x3FD9]  }
0x89: {  	s3 =	sld [smem:$0x3FFE];
	_ =	sdelay $0x1  }
0x8a: {  	s1 =	srdreg.scid  }
0x8b: {  	s0 =	sand.u32 $0x1, s1  }
0x8c: {  	s17 =	sshll.u32 s0, $0xA;
	s2 =	sadd.s32 s3, s2  }
0x8d: {  	s2 =	sadd.s32 s2, s17  }
0x8e: {  	[smem:$0x3FB7] =	sst s2  }
0x8f: {  	_ = 	snop  }
0x90: {  	s2 =	sld [smem:$0x3FD0];
	(tm) =	ssettm $0x1  }
0x91: {  	s18 =	sld [smem:$0x3FFB];
	_ =	sdelay $0x3  }
0x92: {  	_ =	strace s18  }
0x93: {  	s3 =	sld [smem:$0x3FFC];
	_ =	sdelay $0x3  }
0x94: {  	_ =	strace s3  }
0x95: {  	s3 =	sld [smem:$0x3FFD];
	_ =	sdelay $0x3  }
0x96: {  	_ =	strace s3  }
0x97: {  	_ =	strace $0x8FFFFFFF  }
0x98: {  	s19 =	sld [smem:$0x3FDB];
	_ =	sdelay $0x1  }
0x99: {  	s4 =	simm.s32 $_scs_section_size  }
0x9a: {  	s5 =	simm.s32 $_size__tile_overlayer_lowered;
	s6 =	simm.s32 $_tile_overlayer_lowered  }
0x9b: {  	s22 =	simm.s32 $0x1BFF;
	s21 =	sshll.u32 s6, $0x1;
	s3 =	sadd.s32 s4, s19  }
0x9c: {  	s7 =	simm.s32 $0x0;
	s20 =	sshll.u32 s5, $0x1;
	s5 =	sadd.s32 s21, s3  }
0x9d: {  	[timem:s7], [sflag:s22] =	dma.local [hbm:s5], s20  }
0x9e: {  	_ =	swait.ge [sflag:s22], s20  }
0x9f: {  	s4 =	ssub.s32 $0x0, s20;
	[sflag:s22] =	ssyncset.done $0x0  }
0xa0: {  	[sflag:s22] =	ssyncadd.s32 s4;
	_ =	sdelay $0x1  }
0xa1: {  	s23 =	simm.s32 $0x1B8B  }
0xa2: {  	_ =	swait.ge [sflag:s23], $0x1  }
0xa3: {  	[sflag:s23] =	ssyncset.done $0x0  }
0xa4: {  	s25 =	simm.s32 $0x1B8E;
	s24 =	sld [smem:$0x3FFE];
	[sflag:s23] =	ssyncadd.s32 $0xFFFFFFFF  }
0xa5: {  	s26 =	simm.s32 $execute0_lowered;
	[smem:$0x3FD2] =	sst s25  }
0xa6: {  	s5 =	sshll.u32 s26, $0x1;
	_ =	strace $0x80000046;
	[dreg:$0x1] =	wrdreg $0xFFFFFFFF  }
0xa7: {  	s28 =	simm.s32 $_size_execute0_lowered;
	s3 =	sadd.s32 s3, s5;
	[dreg:$0x0] =	wrdreg $0x0  }
0xa8: {  	s5 =	sshll.u32 s28, $0x1;
	[dreg:$0x2] =	wrdreg s3  }
0xa9: {  	[dreg:$0x3] =	wrdreg s5  }
0xaa: {  	[dreg:$0x4] =	wrdreg $0xC0  }
0xab: {  	_ =	task [dreg:s7], $0x5FFFF  }
0xac: {  	[dreg:$0x1] =	wrdreg $0xFFFFFFFF  }
0xad: {  	[dreg:$0x0] =	wrdreg $0x60  }
0xae: {  	[dreg:$0x2] =	wrdreg s2  }
0xaf: {  	[dreg:$0x3] =	wrdreg s24  }
0xb0: {  	[dreg:$0x4] =	wrdreg $0x41000  }
0xb1: {  	[dreg:$0x5] =	wrdreg $0x9  }
0xb2: {  	_ =	task.clear_ibuf [dreg:s7], $0x6FFFF;
	_ =	strace $0x90000046  }
0xb3: {  	s29 =	simm.s32 $0x9;
	_ =	strace $0x80000048  }
0xb4: {  	_ =	swait.ge [sflag:s29], $0x1  }
0xb5: {  	[sflag:s29] =	ssyncadd.s32 $0xFFFFFFFF  }
0xb6: {  	_ =	strace $0x90000048  }
0xb7: {  	_ =	sfence  }
0xb8: {  	s30 =	sld [smem:$0x0];
	_ =	sdelay $0x2  }
0xb9: {  	s31 =	sshll.u32 s1, $0xD;
	s1 =	sshrl.u32 s1, $0x2  }
0xba: {  	s3 =	sand.u32 $0x4000, s31;
	s1 =	sadd.s32 s1, s30  }
0xbb: {  	s0 =	sor.u32 s3, s0;
	s1 =	sshll.u32 s1, $0x11  }
0xbc: {  	s0 =	sor.u32 s1, s0  }
0xbd: {  	s0 =	sadd.s32 $0x8F2B, s0  }
0xbe: {  	[sflag:s0] =	ssyncadd.remote.s32 $0x1  }
0xbf: {  	_ =	sfence.sel $0xFFFF  }
0xc0: {  	[dreg:$0x0] =	wrdreg $0xFFFFFFFF;
	(pc) =	sbr.abs _section_cstart, $3  }
0xc1: {  	[dreg:$0x1] =	wrdreg $0xFFFFFFFF  }
0xc2: {  	_ =	task.clear_ibuf [dreg:s7], $0x2FFFF;
	_ =	strace $0x9FFFFFFF  }
0xc3: {  	(tm) =	ssettm $0x7FFFFFFF  }
tec
execute0_lowered:
.L_overlay_start_1:
0x0: {  	(tag) =	ssettag $0x1  }
0x1: {  	s1 =	rddreg [dreg:$0x0]  }
0x2: {  	s5 =	rddreg [dreg:$0x1]  }
0x3: {  	s0 =	srdreg.scid;
	s3 =	rddreg [dreg:$0x2]  }
0x4: {  	s2 =	rddreg [dreg:$0x3];
	s6 =	sand.u32 $0x1, s0  }
0x5: {  	s0 =	stileid.u32;
	s7 =	smul.u32 $0x140000, s6  }
0x6: {  	s4 =	simm.s32 $0x0;
	s15 =	simm.s32 $0x2;
	s8 =	smul.u32 $0x14000, s0  }
0x7: {  	s16 =	simm.s32 $0x80;
	s17 =	simm.s32 $0x1;
	s9 =	smul.u32 $0x4F00, s6  }
0x8: {  	s20 =	simm.s32 $0x0;
	[smem:$0x7FF] =	sst s4;
	s29 =	smul.u32 $0x50000, s0  }
0x9: {  	_ =	strace $0x80000047;
	s6 =	ssub.s32 $0x2, s6;
	s18 =	sshll.u32 s0, $0x6  }
0xa: {  	s12 =	smul.u32 $0x4F0, s0;
	s31 =	sshrl.u32 s6, $0x1;
	s18 =	sor.u32 $0x1C02, s18  }
0xb: {  	s7 =	sadd.s32 s8, s7;
	s10 =	sadd.s32 s9, s5;
	s30 =	sshrl.u32 s29, $0x2  }
0xc: {  	s13 =	ssub.s32 s6, s31;
	s7 =	sshrl.u32 s7, $0x3;
	s14 =	sadd.s32 s12, s10  }
0xd: {  	s11 =	sadd.s32 s7, s5;
	s5 =	sadd.s32 s30, s3;
	s12 =	sadd.s32 $0x3200, s14  }
0xe: {  	s6 =	sadd.s32 $0x4000, s5;
	s7 =	sadd.s32 $0x8000, s5;
	s8 =	sadd.s32 $0xC000, s5  }
0xf: {  	s9 =	sadd.s32 $0x10000, s5;
	s10 =	sadd.s32 $0x16E00, s11;
	s11 =	smax.u32 s13, $0x1  }
0x10: {  	v0 =	vimm.f32 $0.0e+00;
	s13 =	sadd.s32 $0xD000, s14;
	s14 =	simm.s32 $0x100;
	s19 =	sshrl.u32 s5, $0x3  }
.LBB2_1:
0x11: {  	s21 =	simm.s32 $0x0;
	s22 =	simm.s32 $0x200  }
.LBB2_2:
0x12: {  	p0 =	sne.s32 s22, $0xFE00;
	[tilespmem:s21+$0x170] =	vst v0  }
0x13: {  	[tilespmem:s21+$0x100] =	vst v0  }
0x14: {  	[tilespmem:s21+$0x110] =	vst v0  }
.Ltmp0:
0x15: {  	[tilespmem:s21+$0x120] =	vst v0;
	(pc) =	sbr.rel @p0 .LBB2_2-.Ltmp0, $4  }
0x16: {  	[tilespmem:s21+$0x130] =	vst v0  }
0x17: {  	[tilespmem:s21+$0x140] =	vst v0  }
0x18: {  	[tilespmem:s21+$0x150] =	vst v0  }
0x19: {  	[tilespmem:s21+$0x160] =	vst v0;
	s21 =	sshra.s32 s22, $0x2;
	s22 =	sadd.s32 $0x200, s22  }
0x1a: {  	[tilespmem:s21+$0x170] =	vst v0  }
0x1b: {  	[tilespmem:s21+$0x100] =	vst v0  }
0x1c: {  	[tilespmem:s21+$0x110] =	vst v0  }
0x1d: {  	[tilespmem:s21+$0x120] =	vst v0  }
0x1e: {  	[tilespmem:s21+$0x130] =	vst v0  }
0x1f: {  	[tilespmem:s21+$0x140] =	vst v0  }
0x20: {  	[tilespmem:s21+$0x150] =	vst v0  }
0x21: {  	[tilespmem:s21+$0x160] =	vst v0  }
0x22: {  	[spmem:s5] =	stream.linear.scatter [tilespmem:s14], [sflag:$0x2], $0x4000, $0x38;
	[tilespmem:$0x18100] =	vst v63  }
0x23: {  	_ =	swait.ge [sflag:s15], $0x4000  }
0x24: {  	[sflag:s15] =	ssyncset.done $0x0  }
0x25: {  	[sflag:s15] =	ssyncadd.s32 $0xFFFFC000  }
0x26: {  	[spmem:s6] =	stream.linear.scatter [tilespmem:s14], [sflag:$0x2], $0x4000, $0x38;
	[tilespmem:$0x18100] =	vst v63  }
0x27: {  	_ =	swait.ge [sflag:s15], $0x4000  }
0x28: {  	[sflag:s15] =	ssyncset.done $0x0  }
0x29: {  	[sflag:s15] =	ssyncadd.s32 $0xFFFFC000  }
0x2a: {  	[spmem:s7] =	stream.linear.scatter [tilespmem:s14], [sflag:$0x2], $0x4000, $0x38;
	[tilespmem:$0x18100] =	vst v63  }
0x2b: {  	_ =	swait.ge [sflag:s15], $0x4000  }
0x2c: {  	[sflag:s15] =	ssyncset.done $0x0  }
0x2d: {  	[sflag:s15] =	ssyncadd.s32 $0xFFFFC000  }
0x2e: {  	[spmem:s8] =	stream.linear.scatter [tilespmem:s14], [sflag:$0x2], $0x4000, $0x38;
	[tilespmem:$0x18100] =	vst v63  }
0x2f: {  	_ =	swait.ge [sflag:s15], $0x4000  }
0x30: {  	[sflag:s15] =	ssyncset.done $0x0  }
0x31: {  	[sflag:s15] =	ssyncadd.s32 $0xFFFFC000  }
0x32: {  	[spmem:s9] =	stream.linear.scatter [tilespmem:s14], [sflag:$0x2], $0x4000, $0x38;
	[tilespmem:$0x18100] =	vst v63  }
0x33: {  	_ =	swait.ge [sflag:s15], $0x4000  }
0x34: {  	[sflag:s15] =	ssyncset.done $0x0  }
0x35: {  	[sflag:s15] =	ssyncadd.s32 $0xFFFFC000  }
0x36: {  	s30 =	sadd.s32 $0x0, s13;
	[bflag:$0x0] =	sbarrier.arrive $0xFFFF  }
0x37: {  	[tilespmem:s4], [sflag:$0x2] =	stream.linear.gather [hbm4b:s30+s4], $0x80, $0x38;
	[tilespmem:$0x18100] =	vst v63  }
0x38: {  	_ =	swait.ge [sflag:s15], $0x80  }
0x39: {  	[sflag:s15] =	ssyncset.done $0x0  }
0x3a: {  	s31 =	sadd.s32 $0x0, s12;
	[sflag:s15] =	ssyncadd.s32 $0xFFFFFF80  }
0x3b: {  	[tilespmem:s16], [sflag:$0x2] =	stream.linear.gather [hbm4b:s31+s4], $0x80, $0x38;
	[tilespmem:$0x18100] =	vst v63  }
0x3c: {  	_ =	swait.ge [sflag:s15], $0x80  }
0x3d: {  	[sflag:s15] =	ssyncset.done $0x0  }
0x3e: {  	[sflag:s15] =	ssyncadd.s32 $0xFFFFFF80  }
0x3f: {  	[tilespmem:s14], [sflag:$0x1] =	stream.indirect.gather [hbm4b:s1+s16], $0x80, s4, s16, $0xb8;
	[tilespmem:$0x18100] =	vst v63  }
0x40: {  	_ =	swait.ge [sflag:s17], $0x4000  }
0x41: {  	[sflag:s17] =	ssyncset.done $0x0  }
0x42: {  	[sflag:s17] =	ssyncadd.s32 $0xFFFFC000  }
0x43: {  	[spmem:s3] =	stream.indirect.scatter.add.f32 [tilespmem:s14], [sflag:$0x2], $0x80, s16, s16, $0xb8;
	[tilespmem:$0x18100] =	vst v63  }
0x44: {  	_ =	swait.ge [sflag:s15], $0x4000  }
0x45: {  	s21 =	simm.s32 $0x10;
	s22 =	simm.s32 $0x20;
	[sflag:s15] =	ssyncset.done $0x0  }
.LBB2_4:
0x46: {  	s23 =	sadd.s32 s21, s13  }
0x47: {  	[sflag:s15] =	ssyncadd.s32 $0xFFFFC000;
	s24 =	smov.u32 s22;
	s25 =	sadd.s32 $0x10, s22  }
0x48: {  	[tilespmem:s4], [sflag:$0x2] =	stream.linear.gather [hbm4b:s23+s4], $0x80, $0x38;
	[tilespmem:$0x18100] =	vst v63  }
0x49: {  	p0 =	sne.s32 s22, $0x4E0;
	_ =	swait.ge [sflag:s15], $0x80  }
0x4a: {  	[sflag:s15] =	ssyncset.done $0x0  }
0x4b: {  	s22 =	sadd.s32 s21, s12;
	s21 =	smov.u32 s24;
	[sflag:s15] =	ssyncadd.s32 $0xFFFFFF80  }
0x4c: {  	[tilespmem:s16], [sflag:$0x2] =	stream.linear.gather [hbm4b:s22+s4], $0x80, $0x38;
	[tilespmem:$0x18100] =	vst v63  }
0x4d: {  	_ =	swait.ge [sflag:s15], $0x80  }
0x4e: {  	[sflag:s15] =	ssyncset.done $0x0  }
0x4f: {  	[sflag:s15] =	ssyncadd.s32 $0xFFFFFF80  }
0x50: {  	[tilespmem:s14], [sflag:$0x1] =	stream.indirect.gather [hbm4b:s1+s16], $0x80, s4, s16, $0xb8;
	[tilespmem:$0x18100] =	vst v63  }
0x51: {  	_ =	swait.ge [sflag:s17], $0x4000  }
.Ltmp1:
0x52: {  	[sflag:s17] =	ssyncset.done $0x0;
	(pc) =	sbr.rel @p0 .LBB2_4-.Ltmp1, $4  }
0x53: {  	[sflag:s17] =	ssyncadd.s32 $0xFFFFC000  }
0x54: {  	[spmem:s3] =	stream.indirect.scatter.add.f32 [tilespmem:s14], [sflag:$0x2], $0x80, s16, s16, $0xb8;
	[tilespmem:$0x18100] =	vst v63  }
0x55: {  	_ =	swait.ge [sflag:s15], $0x4000  }
0x56: {  	s22 =	smov.u32 s25;
	[sflag:s15] =	ssyncset.done $0x0  }
0x57: {  	s22 =	sadd.s32 s21, s13;
	[sflag:s15] =	ssyncadd.s32 $0xFFFFC000  }
0x58: {  	[tilespmem:s4], [sflag:$0x2] =	stream.linear.gather [hbm4b:s22+s4], $0x80, $0x38;
	[tilespmem:$0x18100] =	vst v63  }
0x59: {  	_ =	swait.ge [sflag:s15], $0x80  }
0x5a: {  	[sflag:s15] =	ssyncset.done $0x0  }
0x5b: {  	s31 =	sadd.s32 s21, s12;
	[sflag:s15] =	ssyncadd.s32 $0xFFFFFF80  }
0x5c: {  	[tilespmem:s16], [sflag:$0x2] =	stream.linear.gather [hbm4b:s31+s4], $0x80, $0x38;
	[tilespmem:$0x18100] =	vst v63  }
0x5d: {  	_ =	swait.ge [sflag:s15], $0x80  }
0x5e: {  	[sflag:s15] =	ssyncset.done $0x0  }
0x5f: {  	[sflag:s15] =	ssyncadd.s32 $0xFFFFFF80  }
0x60: {  	[tilespmem:s14], [sflag:$0x1] =	stream.indirect.gather [hbm4b:s1+s16], $0x80, s4, s16, $0xb8;
	[tilespmem:$0x18100] =	vst v63  }
0x61: {  	_ =	swait.ge [sflag:s17], $0x4000  }
0x62: {  	[sflag:s17] =	ssyncset.done $0x0  }
0x63: {  	[sflag:s17] =	ssyncadd.s32 $0xFFFFC000  }
0x64: {  	[spmem:s3] =	stream.indirect.scatter.add.f32 [tilespmem:s14], [sflag:$0x2], $0x80, s16, s16, $0xb8;
	[tilespmem:$0x18100] =	vst v63  }
0x65: {  	_ =	swait.ge [sflag:s15], $0x4000  }
0x66: {  	s20 =	sadd.s32 $0x1, s20;
	[sflag:s15] =	ssyncset.done $0x0  }
0x67: {  	p0 =	sne.s32 s20, s11;
	[sflag:s15] =	ssyncadd.s32 $0xFFFFC000  }
.Ltmp2:
0x68: {  	[bflag:$0x0] =	sbarrier.arrive $0xFFFF;
	(pc) =	sbr.rel @p0 .LBB2_1-.Ltmp2, $4  }
0x69: {  	[hbm:s10], [sflag:s18] =	dma.local [spmem:s19], $0x2800  }
0x6a: {  	_ =	swait.ge [sflag:s15], $0x2800  }
0x6b: {  	[sflag:s15] =	ssyncset.done $0x0  }
0x6c: {  	[sflag:s15] =	ssyncadd.s32 $0xFFFFD800  }
0x6d: {  	_ =	sfence.sel $0x180000  }
0x6e: {  	[bflag:$0x0] =	sbarrier.arrive $0xFFFF  }
0x6f: {  	p0 =	sne.s32 s0, $0x0;
	_ =	strace $0x90000047  }
0x70: {  	s0 =	sadd.s32 @!p0 $0x100000, s2;
	[bflag:$0x2] =	sbarrier.arrive $0xFFFF  }
0x71: {  	[sflag:s0] =	ssyncadd.tile.s32 @!p0 $0x1;
	_ =	shalt  }
.Lfunc_end2:
_tile_overlayer_lowered:
.L_overlay_start_2:
0x72: {  	(tag) =	ssettag $0x2  }
0x73: {  	s0 =	rddreg [dreg:$0x0];
	s2 =	stileid.u32  }
0x74: {  	s1 =	rddreg [dreg:$0x1];
	p0 =	sne.s32 s2, $0x0  }
0x75: {  	s3 =	rddreg [dreg:$0x2];
	[bflag:$0x3] =	sbarrier.arrive $0xFFFF;
	s2 =	simm.s32 @!p0 $0x1C02  }
0x76: {  	[timem:s3], [sflag:s2] =	dma.local @!p0 [hbm:s0], s1  }
0x77: {  	s0 =	simm.s32 @!p0 $0x2  }
0x78: {  	_ =	swait.ge @!p0 [sflag:s0], s1  }
0x79: {  	s1 =	ssub.s32 @!p0 $0x0, s1;
	[sflag:s0] =	ssyncset.done @!p0 $0x0  }
0x7a: {  	[sflag:s0] =	ssyncadd.s32 @!p0 s1  }
0x7b: {  	[bflag:$0x3] =	sbarrier.arrive $0xFFFF  }
0x7c: {  	_ =	shalt  }

</sc_bundles>
